<compile_context>
chip_gen: v7x
topology: tpu7x:2x2x1
jax: 0.10.2.dev20260603
libtpu: 0.0.44.dev20260713+nightly
codegen_flags: <defaults>
</compile_context>

<pallas_src>
import functools

import jax
import jax.numpy as jnp
from jax import lax
from jax.experimental import pallas as pl
from jax.experimental.pallas import tpu as pltpu
from jax.experimental.pallas import tpu_sc as plsc

_LANES = 16


@functools.lru_cache(maxsize=None)
def _make_gather_clip(batch: int):
    info = plsc.get_sparse_core_info()
    num_workers = info.num_cores * info.num_subcores
    b_per_w = batch // num_workers
    assert batch % (8 * num_workers) == 0
    mesh = plsc.VectorSubcoreMesh(core_axis_name="c", subcore_axis_name="s")

    n_chunks = 2
    splits = [0, b_per_w // 2, b_per_w]

    @functools.partial(
        pl.kernel,
        mesh=mesh,
        out_type=jax.ShapeDtypeStruct((batch,), jnp.float32),
        scratch_types=[
            pltpu.VMEM((b_per_w,), jnp.int32),
            pltpu.VMEM((b_per_w,), jnp.float32),
            pltpu.SemaphoreType.DMA((n_chunks,)),
            pltpu.SemaphoreType.DMA((n_chunks,)),
            pltpu.SemaphoreType.DMA,
        ],
    )
    def gather_clip(table_hbm, labels_hbm, out_hbm, idx_v, vals_v,
                    isems, gsems, ssem):
        wid = lax.axis_index("s") * info.num_cores + lax.axis_index("c")
        base = wid * b_per_w
        idx_copies = [
            pltpu.async_copy(
                labels_hbm.at[pl.ds(base + splits[c], splits[c + 1] - splits[c])],
                idx_v.at[pl.ds(splits[c], splits[c + 1] - splits[c])], isems.at[c])
            for c in range(n_chunks)
        ]
        gathers = []
        for c in range(n_chunks):
            idx_copies[c].wait()
            gathers.append(pltpu.async_copy(
                table_hbm.at[idx_v.at[pl.ds(splits[c], splits[c + 1] - splits[c])]],
                vals_v.at[pl.ds(splits[c], splits[c + 1] - splits[c])], gsems.at[c]))
        stores = []
        for c in range(n_chunks):
            gathers[c].wait()
            for i in range(splits[c], splits[c + 1], _LANES):
                sl = pl.ds(i, _LANES)
                vals_v[sl] = jnp.clip(vals_v[sl], 0.1, 0.7)
            stores.append(pltpu.async_copy(
                vals_v.at[pl.ds(splits[c], splits[c + 1] - splits[c])],
                out_hbm.at[pl.ds(base + splits[c], splits[c + 1] - splits[c])], ssem))
        for s in stores:
            s.wait()

    return gather_clip


def kernel(labels, class_sigmas):
    fn = _make_gather_clip(labels.shape[0])
    return fn(class_sigmas, labels.astype(jnp.int32))

# --- scband reference (transcript-rebuilt; emitter-appended) ---
"""Pipeline reference for scband-per-class-sigma-module-22282290331940 (READ-ONLY COPY).

The authoritative reference and input builder live on the scoring server;
editing this copy changes nothing except your own understanding.
"""

import jax, jax.numpy as jnp
import numpy as np

NUM_CLASSES = 1000000
INIT_SIGMA = 0.7
BATCH = 16384

def setup_inputs(seed: int = 0) -> dict:
    key = jax.random.key(seed)
    k1, k2 = jax.random.split(key)
    labels = jax.random.randint(k1, (BATCH,), 0, NUM_CLASSES, dtype=jnp.int64 if jax.config.jax_enable_x64 else jnp.int32)
    class_sigmas = jnp.full((NUM_CLASSES,), INIT_SIGMA, dtype=jnp.float32)
    return {"labels": labels, "class_sigmas": class_sigmas}

def reference(labels, class_sigmas):
    # sigmas = self.class_sigmas[labels]; torch.clamp(sigmas, 0.1, 0.7)
    sigmas = jnp.take(class_sigmas, labels, axis=0)
    return jnp.clip(sigmas, 0.1, 0.7)

if __name__ == "__main__":
    import jax
    _d = setup_inputs()
    print(jax.jit(kernel)(*tuple(_d.values())))

</pallas_src>

<mosaic_0001>
#map = affine_map<(d0, d1) -> (0)>
module attributes {stable_mosaic.version = 14 : i64} {
  func.func @gather_clip(%arg0: i32, %arg1: i32, %arg2: memref<1000000xf32, #tpu.memory_space<hbm>>, %arg3: memref<16384xi32, #tpu.memory_space<hbm>>, %arg4: memref<16384xf32, #tpu.memory_space<hbm>>, %arg5: memref<512xi32, #tpu.memory_space<vmem>>, %arg6: memref<512xf32, #tpu.memory_space<vmem>>, %arg7: memref<2x!tpu.dma_semaphore, #tpu.memory_space<semaphore_mem>>, %arg8: memref<2x!tpu.dma_semaphore, #tpu.memory_space<semaphore_mem>>, %arg9: memref<!tpu.dma_semaphore, #tpu.memory_space<semaphore_mem>>) attributes {dimension_semantics = [#tpu.dimension_semantics<core_parallel>, #tpu.dimension_semantics<subcore_parallel>], iteration_bounds = array<i64: 2, 16>, scalar_prefetch = 0 : i64, scratch_operands = 5 : i64, tpu.core_type = #tpu.core_type<sc_vector_subcore>, window_params = [{transform_indices = #map}, {transform_indices = #map}, {transform_indices = #map}]} {
    %mul3A = arith.constant 2 : i32
    %mul3A_0 = arith.muli %arg1, %mul3A : i32
    %add3A = arith.addi %mul3A_0, %arg0 : i32
    %mul3A_1 = arith.constant 512 : i32
    %mul3A_2 = arith.muli %add3A, %mul3A_1 : i32
    %add3A_3 = arith.constant 0 : i32
    %add3A_4 = arith.addi %mul3A_2, %add3A_3 : i32
    %dma_start3A = arith.constant 0 : i32
    %dma_start3A_5 = arith.constant 0 : i32
    %dma_start3A_6 = tpu.memref_slice %arg5[%dma_start3A_5] : memref<512xi32, #tpu.memory_space<vmem>> -> memref<256xi32, #tpu.memory_space<vmem>>
    %dma_start3A_7 = tpu.memref_slice %arg3[%add3A_4] : memref<16384xi32, #tpu.memory_space<hbm>> -> memref<256xi32, #tpu.memory_space<hbm>>
    %dma_start3A_8 = tpu.memref_slice %arg7[%dma_start3A] : memref<2x!tpu.dma_semaphore, #tpu.memory_space<semaphore_mem>> -> memref<1x!tpu.dma_semaphore, #tpu.memory_space<semaphore_mem>>
    %dma_start3A_9 = tpu.memref_squeeze %dma_start3A_8 : memref<1x!tpu.dma_semaphore, #tpu.memory_space<semaphore_mem>> -> memref<!tpu.dma_semaphore, #tpu.memory_space<semaphore_mem>>
    %dma_start3A_10 = arith.constant 0 : i32
    %dma_start3A_11 = tpu.memref_slice %arg5[%dma_start3A_10] : memref<512xi32, #tpu.memory_space<vmem>> -> memref<256xi32, #tpu.memory_space<vmem>>
    %dma_start3A_12 = tpu.memref_slice %arg3[%add3A_4] : memref<16384xi32, #tpu.memory_space<hbm>> -> memref<256xi32, #tpu.memory_space<hbm>>
    tpu.enqueue_dma source(%dma_start3A_12 : memref<256xi32, #tpu.memory_space<hbm>>) target(%dma_start3A_11 : memref<256xi32, #tpu.memory_space<vmem>>) target_semaphore(%dma_start3A_9 : memref<!tpu.dma_semaphore, #tpu.memory_space<semaphore_mem>>)
    %add3A_13 = arith.constant 256 : i32
    %add3A_14 = arith.addi %mul3A_2, %add3A_13 : i32
    %dma_start3A_15 = arith.constant 1 : i32
    %dma_start3A_16 = arith.constant 256 : i32
    %dma_start3A_17 = tpu.memref_slice %arg5[%dma_start3A_16] : memref<512xi32, #tpu.memory_space<vmem>> -> memref<256xi32, #tpu.memory_space<vmem>>
    %dma_start3A_18 = tpu.memref_slice %arg3[%add3A_14] : memref<16384xi32, #tpu.memory_space<hbm>> -> memref<256xi32, #tpu.memory_space<hbm>>
    %dma_start3A_19 = tpu.memref_slice %arg7[%dma_start3A_15] : memref<2x!tpu.dma_semaphore, #tpu.memory_space<semaphore_mem>> -> memref<1x!tpu.dma_semaphore, #tpu.memory_space<semaphore_mem>>
    %dma_start3A_20 = tpu.memref_squeeze %dma_start3A_19 : memref<1x!tpu.dma_semaphore, #tpu.memory_space<semaphore_mem>> -> memref<!tpu.dma_semaphore, #tpu.memory_space<semaphore_mem>>
    %dma_start3A_21 = arith.constant 256 : i32
    %dma_start3A_22 = tpu.memref_slice %arg5[%dma_start3A_21] : memref<512xi32, #tpu.memory_space<vmem>> -> memref<256xi32, #tpu.memory_space<vmem>>
    %dma_start3A_23 = tpu.memref_slice %arg3[%add3A_14] : memref<16384xi32, #tpu.memory_space<hbm>> -> memref<256xi32, #tpu.memory_space<hbm>>
    tpu.enqueue_dma source(%dma_start3A_23 : memref<256xi32, #tpu.memory_space<hbm>>) target(%dma_start3A_22 : memref<256xi32, #tpu.memory_space<vmem>>) target_semaphore(%dma_start3A_20 : memref<!tpu.dma_semaphore, #tpu.memory_space<semaphore_mem>>)
    %dma_wait3A = arith.constant 0 : i32
    %dma_wait3A_24 = arith.constant 0 : i32
    %dma_wait3A_25 = tpu.memref_slice %arg5[%dma_wait3A_24] : memref<512xi32, #tpu.memory_space<vmem>> -> memref<256xi32, #tpu.memory_space<vmem>>
    %dma_wait3A_26 = tpu.memref_slice %arg3[%add3A_4] : memref<16384xi32, #tpu.memory_space<hbm>> -> memref<256xi32, #tpu.memory_space<hbm>>
    %dma_wait3A_27 = tpu.memref_slice %arg7[%dma_wait3A] : memref<2x!tpu.dma_semaphore, #tpu.memory_space<semaphore_mem>> -> memref<1x!tpu.dma_semaphore, #tpu.memory_space<semaphore_mem>>
    %dma_wait3A_28 = tpu.memref_squeeze %dma_wait3A_27 : memref<1x!tpu.dma_semaphore, #tpu.memory_space<semaphore_mem>> -> memref<!tpu.dma_semaphore, #tpu.memory_space<semaphore_mem>>
    %dma_wait3A_29 = arith.constant 0 : i32
    %dma_wait3A_30 = tpu.memref_slice %arg5[%dma_wait3A_29] : memref<512xi32, #tpu.memory_space<vmem>> -> memref<256xi32, #tpu.memory_space<vmem>>
    %dma_wait3A_31 = tpu.memref_slice %arg3[%add3A_4] : memref<16384xi32, #tpu.memory_space<hbm>> -> memref<256xi32, #tpu.memory_space<hbm>>
    tpu.wait_dma2 semaphore(%dma_wait3A_28 : memref<!tpu.dma_semaphore, #tpu.memory_space<semaphore_mem>>) src(%dma_wait3A_31 : memref<256xi32, #tpu.memory_space<hbm>>) dst(%dma_wait3A_30 : memref<256xi32, #tpu.memory_space<vmem>>)
    %dma_start3A_32 = arith.constant 0 : i32
    %dma_start3A_33 = arith.constant 0 : i32
    %dma_start3A_34 = tpu.memref_slice %arg6[%dma_start3A_33] : memref<512xf32, #tpu.memory_space<vmem>> -> memref<256xf32, #tpu.memory_space<vmem>>
    %dma_start3A_35 = arith.constant 0 : i32
    %dma_start3A_36 = tpu.memref_slice %arg5[%dma_start3A_35] : memref<512xi32, #tpu.memory_space<vmem>> -> memref<256xi32, #tpu.memory_space<vmem>>
    %dma_start3A_37 = arith.constant 0 : i32
    %dma_start3A_38 = tpu.memref_slice %arg2[%dma_start3A_37] : memref<1000000xf32, #tpu.memory_space<hbm>> -> memref<1000000xf32, #tpu.memory_space<hbm>>
    %dma_start3A_39 = tpu.memref_slice %arg8[%dma_start3A_32] : memref<2x!tpu.dma_semaphore, #tpu.memory_space<semaphore_mem>> -> memref<1x!tpu.dma_semaphore, #tpu.memory_space<semaphore_mem>>
    %dma_start3A_40 = tpu.memref_squeeze %dma_start3A_39 : memref<1x!tpu.dma_semaphore, #tpu.memory_space<semaphore_mem>> -> memref<!tpu.dma_semaphore, #tpu.memory_space<semaphore_mem>>
    tpu.enqueue_indirect_dma source(%dma_start3A_38 : memref<1000000xf32, #tpu.memory_space<hbm>>) target(%dma_start3A_34 : memref<256xf32, #tpu.memory_space<vmem>>) offsets(%dma_start3A_36 : memref<256xi32, #tpu.memory_space<vmem>>) semaphore(%dma_start3A_40 : memref<!tpu.dma_semaphore, #tpu.memory_space<semaphore_mem>>)
    %dma_wait3A_41 = arith.constant 1 : i32
    %dma_wait3A_42 = arith.constant 256 : i32
    %dma_wait3A_43 = tpu.memref_slice %arg5[%dma_wait3A_42] : memref<512xi32, #tpu.memory_space<vmem>> -> memref<256xi32, #tpu.memory_space<vmem>>
    %dma_wait3A_44 = tpu.memref_slice %arg3[%add3A_14] : memref<16384xi32, #tpu.memory_space<hbm>> -> memref<256xi32, #tpu.memory_space<hbm>>
    %dma_wait3A_45 = tpu.memref_slice %arg7[%dma_wait3A_41] : memref<2x!tpu.dma_semaphore, #tpu.memory_space<semaphore_mem>> -> memref<1x!tpu.dma_semaphore, #tpu.memory_space<semaphore_mem>>
    %dma_wait3A_46 = tpu.memref_squeeze %dma_wait3A_45 : memref<1x!tpu.dma_semaphore, #tpu.memory_space<semaphore_mem>> -> memref<!tpu.dma_semaphore, #tpu.memory_space<semaphore_mem>>
    %dma_wait3A_47 = arith.constant 256 : i32
    %dma_wait3A_48 = tpu.memref_slice %arg5[%dma_wait3A_47] : memref<512xi32, #tpu.memory_space<vmem>> -> memref<256xi32, #tpu.memory_space<vmem>>
    %dma_wait3A_49 = tpu.memref_slice %arg3[%add3A_14] : memref<16384xi32, #tpu.memory_space<hbm>> -> memref<256xi32, #tpu.memory_space<hbm>>
    tpu.wait_dma2 semaphore(%dma_wait3A_46 : memref<!tpu.dma_semaphore, #tpu.memory_space<semaphore_mem>>) src(%dma_wait3A_49 : memref<256xi32, #tpu.memory_space<hbm>>) dst(%dma_wait3A_48 : memref<256xi32, #tpu.memory_space<vmem>>)
    %dma_start3A_50 = arith.constant 1 : i32
    %dma_start3A_51 = arith.constant 256 : i32
    %dma_start3A_52 = tpu.memref_slice %arg6[%dma_start3A_51] : memref<512xf32, #tpu.memory_space<vmem>> -> memref<256xf32, #tpu.memory_space<vmem>>
    %dma_start3A_53 = arith.constant 256 : i32
    %dma_start3A_54 = tpu.memref_slice %arg5[%dma_start3A_53] : memref<512xi32, #tpu.memory_space<vmem>> -> memref<256xi32, #tpu.memory_space<vmem>>
    %dma_start3A_55 = arith.constant 0 : i32
    %dma_start3A_56 = tpu.memref_slice %arg2[%dma_start3A_55] : memref<1000000xf32, #tpu.memory_space<hbm>> -> memref<1000000xf32, #tpu.memory_space<hbm>>
    %dma_start3A_57 = tpu.memref_slice %arg8[%dma_start3A_50] : memref<2x!tpu.dma_semaphore, #tpu.memory_space<semaphore_mem>> -> memref<1x!tpu.dma_semaphore, #tpu.memory_space<semaphore_mem>>
    %dma_start3A_58 = tpu.memref_squeeze %dma_start3A_57 : memref<1x!tpu.dma_semaphore, #tpu.memory_space<semaphore_mem>> -> memref<!tpu.dma_semaphore, #tpu.memory_space<semaphore_mem>>
    tpu.enqueue_indirect_dma source(%dma_start3A_56 : memref<1000000xf32, #tpu.memory_space<hbm>>) target(%dma_start3A_52 : memref<256xf32, #tpu.memory_space<vmem>>) offsets(%dma_start3A_54 : memref<256xi32, #tpu.memory_space<vmem>>) semaphore(%dma_start3A_58 : memref<!tpu.dma_semaphore, #tpu.memory_space<semaphore_mem>>)
    %dma_wait3A_59 = arith.constant 0 : i32
    %dma_wait3A_60 = arith.constant 0 : i32
    %dma_wait3A_61 = tpu.memref_slice %arg6[%dma_wait3A_60] : memref<512xf32, #tpu.memory_space<vmem>> -> memref<256xf32, #tpu.memory_space<vmem>>
    %dma_wait3A_62 = arith.constant 0 : i32
    %dma_wait3A_63 = tpu.memref_slice %arg5[%dma_wait3A_62] : memref<512xi32, #tpu.memory_space<vmem>> -> memref<256xi32, #tpu.memory_space<vmem>>
    %dma_wait3A_64 = arith.constant 0 : i32
    %dma_wait3A_65 = tpu.memref_slice %arg2[%dma_wait3A_64] : memref<1000000xf32, #tpu.memory_space<hbm>> -> memref<1000000xf32, #tpu.memory_space<hbm>>
    %dma_wait3A_66 = tpu.memref_slice %arg8[%dma_wait3A_59] : memref<2x!tpu.dma_semaphore, #tpu.memory_space<semaphore_mem>> -> memref<1x!tpu.dma_semaphore, #tpu.memory_space<semaphore_mem>>
    %dma_wait3A_67 = tpu.memref_squeeze %dma_wait3A_66 : memref<1x!tpu.dma_semaphore, #tpu.memory_space<semaphore_mem>> -> memref<!tpu.dma_semaphore, #tpu.memory_space<semaphore_mem>>
    tpu.wait_indirect_dma semaphore(%dma_wait3A_67 : memref<!tpu.dma_semaphore, #tpu.memory_space<semaphore_mem>>) src(%dma_wait3A_65 : memref<1000000xf32, #tpu.memory_space<hbm>>) dst(%dma_wait3A_61 : memref<256xf32, #tpu.memory_space<vmem>>)
    %get3A = arith.constant 0 : index
    %get3A_68 = tpu.vector_load %arg6[%get3A] {strides = array<i32>} : memref<512xf32, #tpu.memory_space<vmem>>, vector<16xf32>,
    %get3A_69 = vector.shape_cast %get3A_68 : vector<16xf32> to vector<16xf32>
    %jit3A = arith.constant 1.000000e-01 : f32
    %jit3A_70 = arith.constant 0.699999988 : f32
    %max3A = vector.broadcast %jit3A : f32 to vector<16xf32>
    %max3A_71 = arith.maximumf %max3A, %get3A_69 : vector<16xf32>
    %min3A = vector.broadcast %jit3A_70 : f32 to vector<16xf32>
    %min3A_72 = arith.minimumf %min3A, %max3A_71 : vector<16xf32>
    %swap3A = arith.constant 0 : index
    %swap3A_73 = tpu.vector_load %arg6[%swap3A] {strides = array<i32>} : memref<512xf32, #tpu.memory_space<vmem>>, vector<16xf32>,
    %swap3A_74 = vector.shape_cast %swap3A_73 : vector<16xf32> to vector<16xf32>
    %swap3A_75 = vector.shape_cast %min3A_72 : vector<16xf32> to vector<16xf32>
    tpu.vector_store %arg6[%swap3A], %swap3A_75 {strides = array<i32>} : memref<512xf32, #tpu.memory_space<vmem>>, vector<16xf32>,
    %get3A_76 = arith.constant 16 : index
    %get3A_77 = tpu.vector_load %arg6[%get3A_76] {strides = array<i32>} : memref<512xf32, #tpu.memory_space<vmem>>, vector<16xf32>,
    %get3A_78 = vector.shape_cast %get3A_77 : vector<16xf32> to vector<16xf32>
    %jit3A_79 = arith.constant 1.000000e-01 : f32
    %jit3A_80 = arith.constant 0.699999988 : f32
    %max3A_81 = vector.broadcast %jit3A_79 : f32 to vector<16xf32>
    %max3A_82 = arith.maximumf %max3A_81, %get3A_78 : vector<16xf32>
    %min3A_83 = vector.broadcast %jit3A_80 : f32 to vector<16xf32>
    %min3A_84 = arith.minimumf %min3A_83, %max3A_82 : vector<16xf32>
    %swap3A_85 = arith.constant 16 : index
    %swap3A_86 = tpu.vector_load %arg6[%swap3A_85] {strides = array<i32>} : memref<512xf32, #tpu.memory_space<vmem>>, vector<16xf32>,
    %swap3A_87 = vector.shape_cast %swap3A_86 : vector<16xf32> to vector<16xf32>
    %swap3A_88 = vector.shape_cast %min3A_84 : vector<16xf32> to vector<16xf32>
    tpu.vector_store %arg6[%swap3A_85], %swap3A_88 {strides = array<i32>} : memref<512xf32, #tpu.memory_space<vmem>>, vector<16xf32>,
    %get3A_89 = arith.constant 32 : index
    %get3A_90 = tpu.vector_load %arg6[%get3A_89] {strides = array<i32>} : memref<512xf32, #tpu.memory_space<vmem>>, vector<16xf32>,
    %get3A_91 = vector.shape_cast %get3A_90 : vector<16xf32> to vector<16xf32>
    %jit3A_92 = arith.constant 1.000000e-01 : f32
    %jit3A_93 = arith.constant 0.699999988 : f32
    %max3A_94 = vector.broadcast %jit3A_92 : f32 to vector<16xf32>
    %max3A_95 = arith.maximumf %max3A_94, %get3A_91 : vector<16xf32>
    %min3A_96 = vector.broadcast %jit3A_93 : f32 to vector<16xf32>
    %min3A_97 = arith.minimumf %min3A_96, %max3A_95 : vector<16xf32>
    %swap3A_98 = arith.constant 32 : index
    %swap3A_99 = tpu.vector_load %arg6[%swap3A_98] {strides = array<i32>} : memref<512xf32, #tpu.memory_space<vmem>>, vector<16xf32>,
    %swap3A_100 = vector.shape_cast %swap3A_99 : vector<16xf32> to vector<16xf32>
    %swap3A_101 = vector.shape_cast %min3A_97 : vector<16xf32> to vector<16xf32>
    tpu.vector_store %arg6[%swap3A_98], %swap3A_101 {strides = array<i32>} : memref<512xf32, #tpu.memory_space<vmem>>, vector<16xf32>,
    %get3A_102 = arith.constant 48 : index
    %get3A_103 = tpu.vector_load %arg6[%get3A_102] {strides = array<i32>} : memref<512xf32, #tpu.memory_space<vmem>>, vector<16xf32>,
    %get3A_104 = vector.shape_cast %get3A_103 : vector<16xf32> to vector<16xf32>
    %jit3A_105 = arith.constant 1.000000e-01 : f32
    %jit3A_106 = arith.constant 0.699999988 : f32
    %max3A_107 = vector.broadcast %jit3A_105 : f32 to vector<16xf32>
    %max3A_108 = arith.maximumf %max3A_107, %get3A_104 : vector<16xf32>
    %min3A_109 = vector.broadcast %jit3A_106 : f32 to vector<16xf32>
    %min3A_110 = arith.minimumf %min3A_109, %max3A_108 : vector<16xf32>
    %swap3A_111 = arith.constant 48 : index
    %swap3A_112 = tpu.vector_load %arg6[%swap3A_111] {strides = array<i32>} : memref<512xf32, #tpu.memory_space<vmem>>, vector<16xf32>,
    %swap3A_113 = vector.shape_cast %swap3A_112 : vector<16xf32> to vector<16xf32>
    %swap3A_114 = vector.shape_cast %min3A_110 : vector<16xf32> to vector<16xf32>
    tpu.vector_store %arg6[%swap3A_111], %swap3A_114 {strides = array<i32>} : memref<512xf32, #tpu.memory_space<vmem>>, vector<16xf32>,
    %get3A_115 = arith.constant 64 : index
    %get3A_116 = tpu.vector_load %arg6[%get3A_115] {strides = array<i32>} : memref<512xf32, #tpu.memory_space<vmem>>, vector<16xf32>,
    %get3A_117 = vector.shape_cast %get3A_116 : vector<16xf32> to vector<16xf32>
    %jit3A_118 = arith.constant 1.000000e-01 : f32
    %jit3A_119 = arith.constant 0.699999988 : f32
    %max3A_120 = vector.broadcast %jit3A_118 : f32 to vector<16xf32>
    %max3A_121 = arith.maximumf %max3A_120, %get3A_117 : vector<16xf32>
    %min3A_122 = vector.broadcast %jit3A_119 : f32 to vector<16xf32>
    %min3A_123 = arith.minimumf %min3A_122, %max3A_121 : vector<16xf32>
    %swap3A_124 = arith.constant 64 : index
    %swap3A_125 = tpu.vector_load %arg6[%swap3A_124] {strides = array<i32>} : memref<512xf32, #tpu.memory_space<vmem>>, vector<16xf32>,
    %swap3A_126 = vector.shape_cast %swap3A_125 : vector<16xf32> to vector<16xf32>
    %swap3A_127 = vector.shape_cast %min3A_123 : vector<16xf32> to vector<16xf32>
    tpu.vector_store %arg6[%swap3A_124], %swap3A_127 {strides = array<i32>} : memref<512xf32, #tpu.memory_space<vmem>>, vector<16xf32>,
    %get3A_128 = arith.constant 80 : index
    %get3A_129 = tpu.vector_load %arg6[%get3A_128] {strides = array<i32>} : memref<512xf32, #tpu.memory_space<vmem>>, vector<16xf32>,
    %get3A_130 = vector.shape_cast %get3A_129 : vector<16xf32> to vector<16xf32>
    %jit3A_131 = arith.constant 1.000000e-01 : f32
    %jit3A_132 = arith.constant 0.699999988 : f32
    %max3A_133 = vector.broadcast %jit3A_131 : f32 to vector<16xf32>
    %max3A_134 = arith.maximumf %max3A_133, %get3A_130 : vector<16xf32>
    %min3A_135 = vector.broadcast %jit3A_132 : f32 to vector<16xf32>
    %min3A_136 = arith.minimumf %min3A_135, %max3A_134 : vector<16xf32>
    %swap3A_137 = arith.constant 80 : index
    %swap3A_138 = tpu.vector_load %arg6[%swap3A_137] {strides = array<i32>} : memref<512xf32, #tpu.memory_space<vmem>>, vector<16xf32>,
    %swap3A_139 = vector.shape_cast %swap3A_138 : vector<16xf32> to vector<16xf32>
    %swap3A_140 = vector.shape_cast %min3A_136 : vector<16xf32> to vector<16xf32>
    tpu.vector_store %arg6[%swap3A_137], %swap3A_140 {strides = array<i32>} : memref<512xf32, #tpu.memory_space<vmem>>, vector<16xf32>,
    %get3A_141 = arith.constant 96 : index
    %get3A_142 = tpu.vector_load %arg6[%get3A_141] {strides = array<i32>} : memref<512xf32, #tpu.memory_space<vmem>>, vector<16xf32>,
    %get3A_143 = vector.shape_cast %get3A_142 : vector<16xf32> to vector<16xf32>
    %jit3A_144 = arith.constant 1.000000e-01 : f32
    %jit3A_145 = arith.constant 0.699999988 : f32
    %max3A_146 = vector.broadcast %jit3A_144 : f32 to vector<16xf32>
    %max3A_147 = arith.maximumf %max3A_146, %get3A_143 : vector<16xf32>
    %min3A_148 = vector.broadcast %jit3A_145 : f32 to vector<16xf32>
    %min3A_149 = arith.minimumf %min3A_148, %max3A_147 : vector<16xf32>
    %swap3A_150 = arith.constant 96 : index
    %swap3A_151 = tpu.vector_load %arg6[%swap3A_150] {strides = array<i32>} : memref<512xf32, #tpu.memory_space<vmem>>, vector<16xf32>,
    %swap3A_152 = vector.shape_cast %swap3A_151 : vector<16xf32> to vector<16xf32>
    %swap3A_153 = vector.shape_cast %min3A_149 : vector<16xf32> to vector<16xf32>
    tpu.vector_store %arg6[%swap3A_150], %swap3A_153 {strides = array<i32>} : memref<512xf32, #tpu.memory_space<vmem>>, vector<16xf32>,
    %get3A_154 = arith.constant 112 : index
    %get3A_155 = tpu.vector_load %arg6[%get3A_154] {strides = array<i32>} : memref<512xf32, #tpu.memory_space<vmem>>, vector<16xf32>,
    %get3A_156 = vector.shape_cast %get3A_155 : vector<16xf32> to vector<16xf32>
    %jit3A_157 = arith.constant 1.000000e-01 : f32
    %jit3A_158 = arith.constant 0.699999988 : f32
    %max3A_159 = vector.broadcast %jit3A_157 : f32 to vector<16xf32>
    %max3A_160 = arith.maximumf %max3A_159, %get3A_156 : vector<16xf32>
    %min3A_161 = vector.broadcast %jit3A_158 : f32 to vector<16xf32>
    %min3A_162 = arith.minimumf %min3A_161, %max3A_160 : vector<16xf32>
    %swap3A_163 = arith.constant 112 : index
    %swap3A_164 = tpu.vector_load %arg6[%swap3A_163] {strides = array<i32>} : memref<512xf32, #tpu.memory_space<vmem>>, vector<16xf32>,
    %swap3A_165 = vector.shape_cast %swap3A_164 : vector<16xf32> to vector<16xf32>
    %swap3A_166 = vector.shape_cast %min3A_162 : vector<16xf32> to vector<16xf32>
    tpu.vector_store %arg6[%swap3A_163], %swap3A_166 {strides = array<i32>} : memref<512xf32, #tpu.memory_space<vmem>>, vector<16xf32>,
    %get3A_167 = arith.constant 128 : index
    %get3A_168 = tpu.vector_load %arg6[%get3A_167] {strides = array<i32>} : memref<512xf32, #tpu.memory_space<vmem>>, vector<16xf32>,
    %get3A_169 = vector.shape_cast %get3A_168 : vector<16xf32> to vector<16xf32>
    %jit3A_170 = arith.constant 1.000000e-01 : f32
    %jit3A_171 = arith.constant 0.699999988 : f32
    %max3A_172 = vector.broadcast %jit3A_170 : f32 to vector<16xf32>
    %max3A_173 = arith.maximumf %max3A_172, %get3A_169 : vector<16xf32>
    %min3A_174 = vector.broadcast %jit3A_171 : f32 to vector<16xf32>
    %min3A_175 = arith.minimumf %min3A_174, %max3A_173 : vector<16xf32>
    %swap3A_176 = arith.constant 128 : index
    %swap3A_177 = tpu.vector_load %arg6[%swap3A_176] {strides = array<i32>} : memref<512xf32, #tpu.memory_space<vmem>>, vector<16xf32>,
    %swap3A_178 = vector.shape_cast %swap3A_177 : vector<16xf32> to vector<16xf32>
    %swap3A_179 = vector.shape_cast %min3A_175 : vector<16xf32> to vector<16xf32>
    tpu.vector_store %arg6[%swap3A_176], %swap3A_179 {strides = array<i32>} : memref<512xf32, #tpu.memory_space<vmem>>, vector<16xf32>,
    %get3A_180 = arith.constant 144 : index
    %get3A_181 = tpu.vector_load %arg6[%get3A_180] {strides = array<i32>} : memref<512xf32, #tpu.memory_space<vmem>>, vector<16xf32>,
    %get3A_182 = vector.shape_cast %get3A_181 : vector<16xf32> to vector<16xf32>
    %jit3A_183 = arith.constant 1.000000e-01 : f32
    %jit3A_184 = arith.constant 0.699999988 : f32
    %max3A_185 = vector.broadcast %jit3A_183 : f32 to vector<16xf32>
    %max3A_186 = arith.maximumf %max3A_185, %get3A_182 : vector<16xf32>
    %min3A_187 = vector.broadcast %jit3A_184 : f32 to vector<16xf32>
    %min3A_188 = arith.minimumf %min3A_187, %max3A_186 : vector<16xf32>
    %swap3A_189 = arith.constant 144 : index
    %swap3A_190 = tpu.vector_load %arg6[%swap3A_189] {strides = array<i32>} : memref<512xf32, #tpu.memory_space<vmem>>, vector<16xf32>,
    %swap3A_191 = vector.shape_cast %swap3A_190 : vector<16xf32> to vector<16xf32>
    %swap3A_192 = vector.shape_cast %min3A_188 : vector<16xf32> to vector<16xf32>
    tpu.vector_store %arg6[%swap3A_189], %swap3A_192 {strides = array<i32>} : memref<512xf32, #tpu.memory_space<vmem>>, vector<16xf32>,
    %get3A_193 = arith.constant 160 : index
    %get3A_194 = tpu.vector_load %arg6[%get3A_193] {strides = array<i32>} : memref<512xf32, #tpu.memory_space<vmem>>, vector<16xf32>,
    %get3A_195 = vector.shape_cast %get3A_194 : vector<16xf32> to vector<16xf32>
    %jit3A_196 = arith.constant 1.000000e-01 : f32
    %jit3A_197 = arith.constant 0.699999988 : f32
    %max3A_198 = vector.broadcast %jit3A_196 : f32 to vector<16xf32>
    %max3A_199 = arith.maximumf %max3A_198, %get3A_195 : vector<16xf32>
    %min3A_200 = vector.broadcast %jit3A_197 : f32 to vector<16xf32>
    %min3A_201 = arith.minimumf %min3A_200, %max3A_199 : vector<16xf32>
    %swap3A_202 = arith.constant 160 : index
    %swap3A_203 = tpu.vector_load %arg6[%swap3A_202] {strides = array<i32>} : memref<512xf32, #tpu.memory_space<vmem>>, vector<16xf32>,
    %swap3A_204 = vector.shape_cast %swap3A_203 : vector<16xf32> to vector<16xf32>
    %swap3A_205 = vector.shape_cast %min3A_201 : vector<16xf32> to vector<16xf32>
    tpu.vector_store %arg6[%swap3A_202], %swap3A_205 {strides = array<i32>} : memref<512xf32, #tpu.memory_space<vmem>>, vector<16xf32>,
    %get3A_206 = arith.constant 176 : index
    %get3A_207 = tpu.vector_load %arg6[%get3A_206] {strides = array<i32>} : memref<512xf32, #tpu.memory_space<vmem>>, vector<16xf32>,
    %get3A_208 = vector.shape_cast %get3A_207 : vector<16xf32> to vector<16xf32>
    %jit3A_209 = arith.constant 1.000000e-01 : f32
    %jit3A_210 = arith.constant 0.699999988 : f32
    %max3A_211 = vector.broadcast %jit3A_209 : f32 to vector<16xf32>
    %max3A_212 = arith.maximumf %max3A_211, %get3A_208 : vector<16xf32>
    %min3A_213 = vector.broadcast %jit3A_210 : f32 to vector<16xf32>
    %min3A_214 = arith.minimumf %min3A_213, %max3A_212 : vector<16xf32>
    %swap3A_215 = arith.constant 176 : index
    %swap3A_216 = tpu.vector_load %arg6[%swap3A_215] {strides = array<i32>} : memref<512xf32, #tpu.memory_space<vmem>>, vector<16xf32>,
    %swap3A_217 = vector.shape_cast %swap3A_216 : vector<16xf32> to vector<16xf32>
    %swap3A_218 = vector.shape_cast %min3A_214 : vector<16xf32> to vector<16xf32>
    tpu.vector_store %arg6[%swap3A_215], %swap3A_218 {strides = array<i32>} : memref<512xf32, #tpu.memory_space<vmem>>, vector<16xf32>,
    %get3A_219 = arith.constant 192 : index
    %get3A_220 = tpu.vector_load %arg6[%get3A_219] {strides = array<i32>} : memref<512xf32, #tpu.memory_space<vmem>>, vector<16xf32>,
    %get3A_221 = vector.shape_cast %get3A_220 : vector<16xf32> to vector<16xf32>
    %jit3A_222 = arith.constant 1.000000e-01 : f32
    %jit3A_223 = arith.constant 0.699999988 : f32
    %max3A_224 = vector.broadcast %jit3A_222 : f32 to vector<16xf32>
    %max3A_225 = arith.maximumf %max3A_224, %get3A_221 : vector<16xf32>
    %min3A_226 = vector.broadcast %jit3A_223 : f32 to vector<16xf32>
    %min3A_227 = arith.minimumf %min3A_226, %max3A_225 : vector<16xf32>
    %swap3A_228 = arith.constant 192 : index
    %swap3A_229 = tpu.vector_load %arg6[%swap3A_228] {strides = array<i32>} : memref<512xf32, #tpu.memory_space<vmem>>, vector<16xf32>,
    %swap3A_230 = vector.shape_cast %swap3A_229 : vector<16xf32> to vector<16xf32>
    %swap3A_231 = vector.shape_cast %min3A_227 : vector<16xf32> to vector<16xf32>
    tpu.vector_store %arg6[%swap3A_228], %swap3A_231 {strides = array<i32>} : memref<512xf32, #tpu.memory_space<vmem>>, vector<16xf32>,
    %get3A_232 = arith.constant 208 : index
    %get3A_233 = tpu.vector_load %arg6[%get3A_232] {strides = array<i32>} : memref<512xf32, #tpu.memory_space<vmem>>, vector<16xf32>,
    %get3A_234 = vector.shape_cast %get3A_233 : vector<16xf32> to vector<16xf32>
    %jit3A_235 = arith.constant 1.000000e-01 : f32
    %jit3A_236 = arith.constant 0.699999988 : f32
    %max3A_237 = vector.broadcast %jit3A_235 : f32 to vector<16xf32>
    %max3A_238 = arith.maximumf %max3A_237, %get3A_234 : vector<16xf32>
    %min3A_239 = vector.broadcast %jit3A_236 : f32 to vector<16xf32>
    %min3A_240 = arith.minimumf %min3A_239, %max3A_238 : vector<16xf32>
    %swap3A_241 = arith.constant 208 : index
    %swap3A_242 = tpu.vector_load %arg6[%swap3A_241] {strides = array<i32>} : memref<512xf32, #tpu.memory_space<vmem>>, vector<16xf32>,
    %swap3A_243 = vector.shape_cast %swap3A_242 : vector<16xf32> to vector<16xf32>
    %swap3A_244 = vector.shape_cast %min3A_240 : vector<16xf32> to vector<16xf32>
    tpu.vector_store %arg6[%swap3A_241], %swap3A_244 {strides = array<i32>} : memref<512xf32, #tpu.memory_space<vmem>>, vector<16xf32>,
    %get3A_245 = arith.constant 224 : index
    %get3A_246 = tpu.vector_load %arg6[%get3A_245] {strides = array<i32>} : memref<512xf32, #tpu.memory_space<vmem>>, vector<16xf32>,
    %get3A_247 = vector.shape_cast %get3A_246 : vector<16xf32> to vector<16xf32>
    %jit3A_248 = arith.constant 1.000000e-01 : f32
    %jit3A_249 = arith.constant 0.699999988 : f32
    %max3A_250 = vector.broadcast %jit3A_248 : f32 to vector<16xf32>
    %max3A_251 = arith.maximumf %max3A_250, %get3A_247 : vector<16xf32>
    %min3A_252 = vector.broadcast %jit3A_249 : f32 to vector<16xf32>
    %min3A_253 = arith.minimumf %min3A_252, %max3A_251 : vector<16xf32>
    %swap3A_254 = arith.constant 224 : index
    %swap3A_255 = tpu.vector_load %arg6[%swap3A_254] {strides = array<i32>} : memref<512xf32, #tpu.memory_space<vmem>>, vector<16xf32>,
    %swap3A_256 = vector.shape_cast %swap3A_255 : vector<16xf32> to vector<16xf32>
    %swap3A_257 = vector.shape_cast %min3A_253 : vector<16xf32> to vector<16xf32>
    tpu.vector_store %arg6[%swap3A_254], %swap3A_257 {strides = array<i32>} : memref<512xf32, #tpu.memory_space<vmem>>, vector<16xf32>,
    %get3A_258 = arith.constant 240 : index
    %get3A_259 = tpu.vector_load %arg6[%get3A_258] {strides = array<i32>} : memref<512xf32, #tpu.memory_space<vmem>>, vector<16xf32>,
    %get3A_260 = vector.shape_cast %get3A_259 : vector<16xf32> to vector<16xf32>
    %jit3A_261 = arith.constant 1.000000e-01 : f32
    %jit3A_262 = arith.constant 0.699999988 : f32
    %max3A_263 = vector.broadcast %jit3A_261 : f32 to vector<16xf32>
    %max3A_264 = arith.maximumf %max3A_263, %get3A_260 : vector<16xf32>
    %min3A_265 = vector.broadcast %jit3A_262 : f32 to vector<16xf32>
    %min3A_266 = arith.minimumf %min3A_265, %max3A_264 : vector<16xf32>
    %swap3A_267 = arith.constant 240 : index
    %swap3A_268 = tpu.vector_load %arg6[%swap3A_267] {strides = array<i32>} : memref<512xf32, #tpu.memory_space<vmem>>, vector<16xf32>,
    %swap3A_269 = vector.shape_cast %swap3A_268 : vector<16xf32> to vector<16xf32>
    %swap3A_270 = vector.shape_cast %min3A_266 : vector<16xf32> to vector<16xf32>
    tpu.vector_store %arg6[%swap3A_267], %swap3A_270 {strides = array<i32>} : memref<512xf32, #tpu.memory_space<vmem>>, vector<16xf32>,
    %add3A_271 = arith.constant 0 : i32
    %add3A_272 = arith.addi %mul3A_2, %add3A_271 : i32
    %dma_start3A_273 = arith.constant 0 : i32
    %dma_start3A_274 = tpu.memref_slice %arg6[%dma_start3A_273] : memref<512xf32, #tpu.memory_space<vmem>> -> memref<256xf32, #tpu.memory_space<vmem>>
    %dma_start3A_275 = tpu.memref_slice %arg4[%add3A_272] : memref<16384xf32, #tpu.memory_space<hbm>> -> memref<256xf32, #tpu.memory_space<hbm>>
    %dma_start3A_276 = tpu.memref_slice %arg4[%add3A_272] : memref<16384xf32, #tpu.memory_space<hbm>> -> memref<256xf32, #tpu.memory_space<hbm>>
    %dma_start3A_277 = arith.constant 0 : i32
    %dma_start3A_278 = tpu.memref_slice %arg6[%dma_start3A_277] : memref<512xf32, #tpu.memory_space<vmem>> -> memref<256xf32, #tpu.memory_space<vmem>>
    tpu.enqueue_dma source(%dma_start3A_278 : memref<256xf32, #tpu.memory_space<vmem>>) target(%dma_start3A_276 : memref<256xf32, #tpu.memory_space<hbm>>) target_semaphore(%arg9 : memref<!tpu.dma_semaphore, #tpu.memory_space<semaphore_mem>>)
    %dma_wait3A_279 = arith.constant 1 : i32
    %dma_wait3A_280 = arith.constant 256 : i32
    %dma_wait3A_281 = tpu.memref_slice %arg6[%dma_wait3A_280] : memref<512xf32, #tpu.memory_space<vmem>> -> memref<256xf32, #tpu.memory_space<vmem>>
    %dma_wait3A_282 = arith.constant 256 : i32
    %dma_wait3A_283 = tpu.memref_slice %arg5[%dma_wait3A_282] : memref<512xi32, #tpu.memory_space<vmem>> -> memref<256xi32, #tpu.memory_space<vmem>>
    %dma_wait3A_284 = arith.constant 0 : i32
    %dma_wait3A_285 = tpu.memref_slice %arg2[%dma_wait3A_284] : memref<1000000xf32, #tpu.memory_space<hbm>> -> memref<1000000xf32, #tpu.memory_space<hbm>>
    %dma_wait3A_286 = tpu.memref_slice %arg8[%dma_wait3A_279] : memref<2x!tpu.dma_semaphore, #tpu.memory_space<semaphore_mem>> -> memref<1x!tpu.dma_semaphore, #tpu.memory_space<semaphore_mem>>
    %dma_wait3A_287 = tpu.memref_squeeze %dma_wait3A_286 : memref<1x!tpu.dma_semaphore, #tpu.memory_space<semaphore_mem>> -> memref<!tpu.dma_semaphore, #tpu.memory_space<semaphore_mem>>
    tpu.wait_indirect_dma semaphore(%dma_wait3A_287 : memref<!tpu.dma_semaphore, #tpu.memory_space<semaphore_mem>>) src(%dma_wait3A_285 : memref<1000000xf32, #tpu.memory_space<hbm>>) dst(%dma_wait3A_281 : memref<256xf32, #tpu.memory_space<vmem>>)
    %get3A_288 = arith.constant 256 : index
    %get3A_289 = tpu.vector_load %arg6[%get3A_288] {strides = array<i32>} : memref<512xf32, #tpu.memory_space<vmem>>, vector<16xf32>,
    %get3A_290 = vector.shape_cast %get3A_289 : vector<16xf32> to vector<16xf32>
    %jit3A_291 = arith.constant 1.000000e-01 : f32
    %jit3A_292 = arith.constant 0.699999988 : f32
    %max3A_293 = vector.broadcast %jit3A_291 : f32 to vector<16xf32>
    %max3A_294 = arith.maximumf %max3A_293, %get3A_290 : vector<16xf32>
    %min3A_295 = vector.broadcast %jit3A_292 : f32 to vector<16xf32>
    %min3A_296 = arith.minimumf %min3A_295, %max3A_294 : vector<16xf32>
    %swap3A_297 = arith.constant 256 : index
    %swap3A_298 = tpu.vector_load %arg6[%swap3A_297] {strides = array<i32>} : memref<512xf32, #tpu.memory_space<vmem>>, vector<16xf32>,
    %swap3A_299 = vector.shape_cast %swap3A_298 : vector<16xf32> to vector<16xf32>
    %swap3A_300 = vector.shape_cast %min3A_296 : vector<16xf32> to vector<16xf32>
    tpu.vector_store %arg6[%swap3A_297], %swap3A_300 {strides = array<i32>} : memref<512xf32, #tpu.memory_space<vmem>>, vector<16xf32>,
    %get3A_301 = arith.constant 272 : index
    %get3A_302 = tpu.vector_load %arg6[%get3A_301] {strides = array<i32>} : memref<512xf32, #tpu.memory_space<vmem>>, vector<16xf32>,
    %get3A_303 = vector.shape_cast %get3A_302 : vector<16xf32> to vector<16xf32>
    %jit3A_304 = arith.constant 1.000000e-01 : f32
    %jit3A_305 = arith.constant 0.699999988 : f32
    %max3A_306 = vector.broadcast %jit3A_304 : f32 to vector<16xf32>
    %max3A_307 = arith.maximumf %max3A_306, %get3A_303 : vector<16xf32>
    %min3A_308 = vector.broadcast %jit3A_305 : f32 to vector<16xf32>
    %min3A_309 = arith.minimumf %min3A_308, %max3A_307 : vector<16xf32>
    %swap3A_310 = arith.constant 272 : index
    %swap3A_311 = tpu.vector_load %arg6[%swap3A_310] {strides = array<i32>} : memref<512xf32, #tpu.memory_space<vmem>>, vector<16xf32>,
    %swap3A_312 = vector.shape_cast %swap3A_311 : vector<16xf32> to vector<16xf32>
    %swap3A_313 = vector.shape_cast %min3A_309 : vector<16xf32> to vector<16xf32>
    tpu.vector_store %arg6[%swap3A_310], %swap3A_313 {strides = array<i32>} : memref<512xf32, #tpu.memory_space<vmem>>, vector<16xf32>,
    %get3A_314 = arith.constant 288 : index
    %get3A_315 = tpu.vector_load %arg6[%get3A_314] {strides = array<i32>} : memref<512xf32, #tpu.memory_space<vmem>>, vector<16xf32>,
    %get3A_316 = vector.shape_cast %get3A_315 : vector<16xf32> to vector<16xf32>
    %jit3A_317 = arith.constant 1.000000e-01 : f32
    %jit3A_318 = arith.constant 0.699999988 : f32
    %max3A_319 = vector.broadcast %jit3A_317 : f32 to vector<16xf32>
    %max3A_320 = arith.maximumf %max3A_319, %get3A_316 : vector<16xf32>
    %min3A_321 = vector.broadcast %jit3A_318 : f32 to vector<16xf32>
    %min3A_322 = arith.minimumf %min3A_321, %max3A_320 : vector<16xf32>
    %swap3A_323 = arith.constant 288 : index
    %swap3A_324 = tpu.vector_load %arg6[%swap3A_323] {strides = array<i32>} : memref<512xf32, #tpu.memory_space<vmem>>, vector<16xf32>,
    %swap3A_325 = vector.shape_cast %swap3A_324 : vector<16xf32> to vector<16xf32>
    %swap3A_326 = vector.shape_cast %min3A_322 : vector<16xf32> to vector<16xf32>
    tpu.vector_store %arg6[%swap3A_323], %swap3A_326 {strides = array<i32>} : memref<512xf32, #tpu.memory_space<vmem>>, vector<16xf32>,
    %get3A_327 = arith.constant 304 : index
    %get3A_328 = tpu.vector_load %arg6[%get3A_327] {strides = array<i32>} : memref<512xf32, #tpu.memory_space<vmem>>, vector<16xf32>,
    %get3A_329 = vector.shape_cast %get3A_328 : vector<16xf32> to vector<16xf32>
    %jit3A_330 = arith.constant 1.000000e-01 : f32
    %jit3A_331 = arith.constant 0.699999988 : f32
    %max3A_332 = vector.broadcast %jit3A_330 : f32 to vector<16xf32>
    %max3A_333 = arith.maximumf %max3A_332, %get3A_329 : vector<16xf32>
    %min3A_334 = vector.broadcast %jit3A_331 : f32 to vector<16xf32>
    %min3A_335 = arith.minimumf %min3A_334, %max3A_333 : vector<16xf32>
    %swap3A_336 = arith.constant 304 : index
    %swap3A_337 = tpu.vector_load %arg6[%swap3A_336] {strides = array<i32>} : memref<512xf32, #tpu.memory_space<vmem>>, vector<16xf32>,
    %swap3A_338 = vector.shape_cast %swap3A_337 : vector<16xf32> to vector<16xf32>
    %swap3A_339 = vector.shape_cast %min3A_335 : vector<16xf32> to vector<16xf32>
    tpu.vector_store %arg6[%swap3A_336], %swap3A_339 {strides = array<i32>} : memref<512xf32, #tpu.memory_space<vmem>>, vector<16xf32>,
    %get3A_340 = arith.constant 320 : index
    %get3A_341 = tpu.vector_load %arg6[%get3A_340] {strides = array<i32>} : memref<512xf32, #tpu.memory_space<vmem>>, vector<16xf32>,
    %get3A_342 = vector.shape_cast %get3A_341 : vector<16xf32> to vector<16xf32>
    %jit3A_343 = arith.constant 1.000000e-01 : f32
    %jit3A_344 = arith.constant 0.699999988 : f32
    %max3A_345 = vector.broadcast %jit3A_343 : f32 to vector<16xf32>
    %max3A_346 = arith.maximumf %max3A_345, %get3A_342 : vector<16xf32>
    %min3A_347 = vector.broadcast %jit3A_344 : f32 to vector<16xf32>
    %min3A_348 = arith.minimumf %min3A_347, %max3A_346 : vector<16xf32>
    %swap3A_349 = arith.constant 320 : index
    %swap3A_350 = tpu.vector_load %arg6[%swap3A_349] {strides = array<i32>} : memref<512xf32, #tpu.memory_space<vmem>>, vector<16xf32>,
    %swap3A_351 = vector.shape_cast %swap3A_350 : vector<16xf32> to vector<16xf32>
    %swap3A_352 = vector.shape_cast %min3A_348 : vector<16xf32> to vector<16xf32>
    tpu.vector_store %arg6[%swap3A_349], %swap3A_352 {strides = array<i32>} : memref<512xf32, #tpu.memory_space<vmem>>, vector<16xf32>,
    %get3A_353 = arith.constant 336 : index
    %get3A_354 = tpu.vector_load %arg6[%get3A_353] {strides = array<i32>} : memref<512xf32, #tpu.memory_space<vmem>>, vector<16xf32>,
    %get3A_355 = vector.shape_cast %get3A_354 : vector<16xf32> to vector<16xf32>
    %jit3A_356 = arith.constant 1.000000e-01 : f32
    %jit3A_357 = arith.constant 0.699999988 : f32
    %max3A_358 = vector.broadcast %jit3A_356 : f32 to vector<16xf32>
    %max3A_359 = arith.maximumf %max3A_358, %get3A_355 : vector<16xf32>
    %min3A_360 = vector.broadcast %jit3A_357 : f32 to vector<16xf32>
    %min3A_361 = arith.minimumf %min3A_360, %max3A_359 : vector<16xf32>
    %swap3A_362 = arith.constant 336 : index
    %swap3A_363 = tpu.vector_load %arg6[%swap3A_362] {strides = array<i32>} : memref<512xf32, #tpu.memory_space<vmem>>, vector<16xf32>,
    %swap3A_364 = vector.shape_cast %swap3A_363 : vector<16xf32> to vector<16xf32>
    %swap3A_365 = vector.shape_cast %min3A_361 : vector<16xf32> to vector<16xf32>
    tpu.vector_store %arg6[%swap3A_362], %swap3A_365 {strides = array<i32>} : memref<512xf32, #tpu.memory_space<vmem>>, vector<16xf32>,
    %get3A_366 = arith.constant 352 : index
    %get3A_367 = tpu.vector_load %arg6[%get3A_366] {strides = array<i32>} : memref<512xf32, #tpu.memory_space<vmem>>, vector<16xf32>,
    %get3A_368 = vector.shape_cast %get3A_367 : vector<16xf32> to vector<16xf32>
    %jit3A_369 = arith.constant 1.000000e-01 : f32
    %jit3A_370 = arith.constant 0.699999988 : f32
    %max3A_371 = vector.broadcast %jit3A_369 : f32 to vector<16xf32>
    %max3A_372 = arith.maximumf %max3A_371, %get3A_368 : vector<16xf32>
    %min3A_373 = vector.broadcast %jit3A_370 : f32 to vector<16xf32>
    %min3A_374 = arith.minimumf %min3A_373, %max3A_372 : vector<16xf32>
    %swap3A_375 = arith.constant 352 : index
    %swap3A_376 = tpu.vector_load %arg6[%swap3A_375] {strides = array<i32>} : memref<512xf32, #tpu.memory_space<vmem>>, vector<16xf32>,
    %swap3A_377 = vector.shape_cast %swap3A_376 : vector<16xf32> to vector<16xf32>
    %swap3A_378 = vector.shape_cast %min3A_374 : vector<16xf32> to vector<16xf32>
    tpu.vector_store %arg6[%swap3A_375], %swap3A_378 {strides = array<i32>} : memref<512xf32, #tpu.memory_space<vmem>>, vector<16xf32>,
    %get3A_379 = arith.constant 368 : index
    %get3A_380 = tpu.vector_load %arg6[%get3A_379] {strides = array<i32>} : memref<512xf32, #tpu.memory_space<vmem>>, vector<16xf32>,
    %get3A_381 = vector.shape_cast %get3A_380 : vector<16xf32> to vector<16xf32>
    %jit3A_382 = arith.constant 1.000000e-01 : f32
    %jit3A_383 = arith.constant 0.699999988 : f32
    %max3A_384 = vector.broadcast %jit3A_382 : f32 to vector<16xf32>
    %max3A_385 = arith.maximumf %max3A_384, %get3A_381 : vector<16xf32>
    %min3A_386 = vector.broadcast %jit3A_383 : f32 to vector<16xf32>
    %min3A_387 = arith.minimumf %min3A_386, %max3A_385 : vector<16xf32>
    %swap3A_388 = arith.constant 368 : index
    %swap3A_389 = tpu.vector_load %arg6[%swap3A_388] {strides = array<i32>} : memref<512xf32, #tpu.memory_space<vmem>>, vector<16xf32>,
    %swap3A_390 = vector.shape_cast %swap3A_389 : vector<16xf32> to vector<16xf32>
    %swap3A_391 = vector.shape_cast %min3A_387 : vector<16xf32> to vector<16xf32>
    tpu.vector_store %arg6[%swap3A_388], %swap3A_391 {strides = array<i32>} : memref<512xf32, #tpu.memory_space<vmem>>, vector<16xf32>,
    %get3A_392 = arith.constant 384 : index
    %get3A_393 = tpu.vector_load %arg6[%get3A_392] {strides = array<i32>} : memref<512xf32, #tpu.memory_space<vmem>>, vector<16xf32>,
    %get3A_394 = vector.shape_cast %get3A_393 : vector<16xf32> to vector<16xf32>
    %jit3A_395 = arith.constant 1.000000e-01 : f32
    %jit3A_396 = arith.constant 0.699999988 : f32
    %max3A_397 = vector.broadcast %jit3A_395 : f32 to vector<16xf32>
    %max3A_398 = arith.maximumf %max3A_397, %get3A_394 : vector<16xf32>
    %min3A_399 = vector.broadcast %jit3A_396 : f32 to vector<16xf32>
    %min3A_400 = arith.minimumf %min3A_399, %max3A_398 : vector<16xf32>
    %swap3A_401 = arith.constant 384 : index
    %swap3A_402 = tpu.vector_load %arg6[%swap3A_401] {strides = array<i32>} : memref<512xf32, #tpu.memory_space<vmem>>, vector<16xf32>,
    %swap3A_403 = vector.shape_cast %swap3A_402 : vector<16xf32> to vector<16xf32>
    %swap3A_404 = vector.shape_cast %min3A_400 : vector<16xf32> to vector<16xf32>
    tpu.vector_store %arg6[%swap3A_401], %swap3A_404 {strides = array<i32>} : memref<512xf32, #tpu.memory_space<vmem>>, vector<16xf32>,
    %get3A_405 = arith.constant 400 : index
    %get3A_406 = tpu.vector_load %arg6[%get3A_405] {strides = array<i32>} : memref<512xf32, #tpu.memory_space<vmem>>, vector<16xf32>,
    %get3A_407 = vector.shape_cast %get3A_406 : vector<16xf32> to vector<16xf32>
    %jit3A_408 = arith.constant 1.000000e-01 : f32
    %jit3A_409 = arith.constant 0.699999988 : f32
    %max3A_410 = vector.broadcast %jit3A_408 : f32 to vector<16xf32>
    %max3A_411 = arith.maximumf %max3A_410, %get3A_407 : vector<16xf32>
    %min3A_412 = vector.broadcast %jit3A_409 : f32 to vector<16xf32>
    %min3A_413 = arith.minimumf %min3A_412, %max3A_411 : vector<16xf32>
    %swap3A_414 = arith.constant 400 : index
    %swap3A_415 = tpu.vector_load %arg6[%swap3A_414] {strides = array<i32>} : memref<512xf32, #tpu.memory_space<vmem>>, vector<16xf32>,
    %swap3A_416 = vector.shape_cast %swap3A_415 : vector<16xf32> to vector<16xf32>
    %swap3A_417 = vector.shape_cast %min3A_413 : vector<16xf32> to vector<16xf32>
    tpu.vector_store %arg6[%swap3A_414], %swap3A_417 {strides = array<i32>} : memref<512xf32, #tpu.memory_space<vmem>>, vector<16xf32>,
    %get3A_418 = arith.constant 416 : index
    %get3A_419 = tpu.vector_load %arg6[%get3A_418] {strides = array<i32>} : memref<512xf32, #tpu.memory_space<vmem>>, vector<16xf32>,
    %get3A_420 = vector.shape_cast %get3A_419 : vector<16xf32> to vector<16xf32>
    %jit3A_421 = arith.constant 1.000000e-01 : f32
    %jit3A_422 = arith.constant 0.699999988 : f32
    %max3A_423 = vector.broadcast %jit3A_421 : f32 to vector<16xf32>
    %max3A_424 = arith.maximumf %max3A_423, %get3A_420 : vector<16xf32>
    %min3A_425 = vector.broadcast %jit3A_422 : f32 to vector<16xf32>
    %min3A_426 = arith.minimumf %min3A_425, %max3A_424 : vector<16xf32>
    %swap3A_427 = arith.constant 416 : index
    %swap3A_428 = tpu.vector_load %arg6[%swap3A_427] {strides = array<i32>} : memref<512xf32, #tpu.memory_space<vmem>>, vector<16xf32>,
    %swap3A_429 = vector.shape_cast %swap3A_428 : vector<16xf32> to vector<16xf32>
    %swap3A_430 = vector.shape_cast %min3A_426 : vector<16xf32> to vector<16xf32>
    tpu.vector_store %arg6[%swap3A_427], %swap3A_430 {strides = array<i32>} : memref<512xf32, #tpu.memory_space<vmem>>, vector<16xf32>,
    %get3A_431 = arith.constant 432 : index
    %get3A_432 = tpu.vector_load %arg6[%get3A_431] {strides = array<i32>} : memref<512xf32, #tpu.memory_space<vmem>>, vector<16xf32>,
    %get3A_433 = vector.shape_cast %get3A_432 : vector<16xf32> to vector<16xf32>
    %jit3A_434 = arith.constant 1.000000e-01 : f32
    %jit3A_435 = arith.constant 0.699999988 : f32
    %max3A_436 = vector.broadcast %jit3A_434 : f32 to vector<16xf32>
    %max3A_437 = arith.maximumf %max3A_436, %get3A_433 : vector<16xf32>
    %min3A_438 = vector.broadcast %jit3A_435 : f32 to vector<16xf32>
    %min3A_439 = arith.minimumf %min3A_438, %max3A_437 : vector<16xf32>
    %swap3A_440 = arith.constant 432 : index
    %swap3A_441 = tpu.vector_load %arg6[%swap3A_440] {strides = array<i32>} : memref<512xf32, #tpu.memory_space<vmem>>, vector<16xf32>,
    %swap3A_442 = vector.shape_cast %swap3A_441 : vector<16xf32> to vector<16xf32>
    %swap3A_443 = vector.shape_cast %min3A_439 : vector<16xf32> to vector<16xf32>
    tpu.vector_store %arg6[%swap3A_440], %swap3A_443 {strides = array<i32>} : memref<512xf32, #tpu.memory_space<vmem>>, vector<16xf32>,
    %get3A_444 = arith.constant 448 : index
    %get3A_445 = tpu.vector_load %arg6[%get3A_444] {strides = array<i32>} : memref<512xf32, #tpu.memory_space<vmem>>, vector<16xf32>,
    %get3A_446 = vector.shape_cast %get3A_445 : vector<16xf32> to vector<16xf32>
    %jit3A_447 = arith.constant 1.000000e-01 : f32
    %jit3A_448 = arith.constant 0.699999988 : f32
    %max3A_449 = vector.broadcast %jit3A_447 : f32 to vector<16xf32>
    %max3A_450 = arith.maximumf %max3A_449, %get3A_446 : vector<16xf32>
    %min3A_451 = vector.broadcast %jit3A_448 : f32 to vector<16xf32>
    %min3A_452 = arith.minimumf %min3A_451, %max3A_450 : vector<16xf32>
    %swap3A_453 = arith.constant 448 : index
    %swap3A_454 = tpu.vector_load %arg6[%swap3A_453] {strides = array<i32>} : memref<512xf32, #tpu.memory_space<vmem>>, vector<16xf32>,
    %swap3A_455 = vector.shape_cast %swap3A_454 : vector<16xf32> to vector<16xf32>
    %swap3A_456 = vector.shape_cast %min3A_452 : vector<16xf32> to vector<16xf32>
    tpu.vector_store %arg6[%swap3A_453], %swap3A_456 {strides = array<i32>} : memref<512xf32, #tpu.memory_space<vmem>>, vector<16xf32>,
    %get3A_457 = arith.constant 464 : index
    %get3A_458 = tpu.vector_load %arg6[%get3A_457] {strides = array<i32>} : memref<512xf32, #tpu.memory_space<vmem>>, vector<16xf32>,
    %get3A_459 = vector.shape_cast %get3A_458 : vector<16xf32> to vector<16xf32>
    %jit3A_460 = arith.constant 1.000000e-01 : f32
    %jit3A_461 = arith.constant 0.699999988 : f32
    %max3A_462 = vector.broadcast %jit3A_460 : f32 to vector<16xf32>
    %max3A_463 = arith.maximumf %max3A_462, %get3A_459 : vector<16xf32>
    %min3A_464 = vector.broadcast %jit3A_461 : f32 to vector<16xf32>
    %min3A_465 = arith.minimumf %min3A_464, %max3A_463 : vector<16xf32>
    %swap3A_466 = arith.constant 464 : index
    %swap3A_467 = tpu.vector_load %arg6[%swap3A_466] {strides = array<i32>} : memref<512xf32, #tpu.memory_space<vmem>>, vector<16xf32>,
    %swap3A_468 = vector.shape_cast %swap3A_467 : vector<16xf32> to vector<16xf32>
    %swap3A_469 = vector.shape_cast %min3A_465 : vector<16xf32> to vector<16xf32>
    tpu.vector_store %arg6[%swap3A_466], %swap3A_469 {strides = array<i32>} : memref<512xf32, #tpu.memory_space<vmem>>, vector<16xf32>,
    %get3A_470 = arith.constant 480 : index
    %get3A_471 = tpu.vector_load %arg6[%get3A_470] {strides = array<i32>} : memref<512xf32, #tpu.memory_space<vmem>>, vector<16xf32>,
    %get3A_472 = vector.shape_cast %get3A_471 : vector<16xf32> to vector<16xf32>
    %jit3A_473 = arith.constant 1.000000e-01 : f32
    %jit3A_474 = arith.constant 0.699999988 : f32
    %max3A_475 = vector.broadcast %jit3A_473 : f32 to vector<16xf32>
    %max3A_476 = arith.maximumf %max3A_475, %get3A_472 : vector<16xf32>
    %min3A_477 = vector.broadcast %jit3A_474 : f32 to vector<16xf32>
    %min3A_478 = arith.minimumf %min3A_477, %max3A_476 : vector<16xf32>
    %swap3A_479 = arith.constant 480 : index
    %swap3A_480 = tpu.vector_load %arg6[%swap3A_479] {strides = array<i32>} : memref<512xf32, #tpu.memory_space<vmem>>, vector<16xf32>,
    %swap3A_481 = vector.shape_cast %swap3A_480 : vector<16xf32> to vector<16xf32>
    %swap3A_482 = vector.shape_cast %min3A_478 : vector<16xf32> to vector<16xf32>
    tpu.vector_store %arg6[%swap3A_479], %swap3A_482 {strides = array<i32>} : memref<512xf32, #tpu.memory_space<vmem>>, vector<16xf32>,
    %get3A_483 = arith.constant 496 : index
    %get3A_484 = tpu.vector_load %arg6[%get3A_483] {strides = array<i32>} : memref<512xf32, #tpu.memory_space<vmem>>, vector<16xf32>,
    %get3A_485 = vector.shape_cast %get3A_484 : vector<16xf32> to vector<16xf32>
    %jit3A_486 = arith.constant 1.000000e-01 : f32
    %jit3A_487 = arith.constant 0.699999988 : f32
    %max3A_488 = vector.broadcast %jit3A_486 : f32 to vector<16xf32>
    %max3A_489 = arith.maximumf %max3A_488, %get3A_485 : vector<16xf32>
    %min3A_490 = vector.broadcast %jit3A_487 : f32 to vector<16xf32>
    %min3A_491 = arith.minimumf %min3A_490, %max3A_489 : vector<16xf32>
    %swap3A_492 = arith.constant 496 : index
    %swap3A_493 = tpu.vector_load %arg6[%swap3A_492] {strides = array<i32>} : memref<512xf32, #tpu.memory_space<vmem>>, vector<16xf32>,
    %swap3A_494 = vector.shape_cast %swap3A_493 : vector<16xf32> to vector<16xf32>
    %swap3A_495 = vector.shape_cast %min3A_491 : vector<16xf32> to vector<16xf32>
    tpu.vector_store %arg6[%swap3A_492], %swap3A_495 {strides = array<i32>} : memref<512xf32, #tpu.memory_space<vmem>>, vector<16xf32>,
    %add3A_496 = arith.constant 256 : i32
    %add3A_497 = arith.addi %mul3A_2, %add3A_496 : i32
    %dma_start3A_498 = arith.constant 256 : i32
    %dma_start3A_499 = tpu.memref_slice %arg6[%dma_start3A_498] : memref<512xf32, #tpu.memory_space<vmem>> -> memref<256xf32, #tpu.memory_space<vmem>>
    %dma_start3A_500 = tpu.memref_slice %arg4[%add3A_497] : memref<16384xf32, #tpu.memory_space<hbm>> -> memref<256xf32, #tpu.memory_space<hbm>>
    %dma_start3A_501 = tpu.memref_slice %arg4[%add3A_497] : memref<16384xf32, #tpu.memory_space<hbm>> -> memref<256xf32, #tpu.memory_space<hbm>>
    %dma_start3A_502 = arith.constant 256 : i32
    %dma_start3A_503 = tpu.memref_slice %arg6[%dma_start3A_502] : memref<512xf32, #tpu.memory_space<vmem>> -> memref<256xf32, #tpu.memory_space<vmem>>
    tpu.enqueue_dma source(%dma_start3A_503 : memref<256xf32, #tpu.memory_space<vmem>>) target(%dma_start3A_501 : memref<256xf32, #tpu.memory_space<hbm>>) target_semaphore(%arg9 : memref<!tpu.dma_semaphore, #tpu.memory_space<semaphore_mem>>)
    %dma_wait3A_504 = arith.constant 0 : i32
    %dma_wait3A_505 = tpu.memref_slice %arg6[%dma_wait3A_504] : memref<512xf32, #tpu.memory_space<vmem>> -> memref<256xf32, #tpu.memory_space<vmem>>
    %dma_wait3A_506 = tpu.memref_slice %arg4[%add3A_272] : memref<16384xf32, #tpu.memory_space<hbm>> -> memref<256xf32, #tpu.memory_space<hbm>>
    %dma_wait3A_507 = tpu.memref_slice %arg4[%add3A_272] : memref<16384xf32, #tpu.memory_space<hbm>> -> memref<256xf32, #tpu.memory_space<hbm>>
    %dma_wait3A_508 = arith.constant 0 : i32
    %dma_wait3A_509 = tpu.memref_slice %arg6[%dma_wait3A_508] : memref<512xf32, #tpu.memory_space<vmem>> -> memref<256xf32, #tpu.memory_space<vmem>>
    tpu.wait_dma2 semaphore(%arg9 : memref<!tpu.dma_semaphore, #tpu.memory_space<semaphore_mem>>) src(%dma_wait3A_509 : memref<256xf32, #tpu.memory_space<vmem>>) dst(%dma_wait3A_507 : memref<256xf32, #tpu.memory_space<hbm>>)
    %dma_wait3A_510 = arith.constant 256 : i32
    %dma_wait3A_511 = tpu.memref_slice %arg6[%dma_wait3A_510] : memref<512xf32, #tpu.memory_space<vmem>> -> memref<256xf32, #tpu.memory_space<vmem>>
    %dma_wait3A_512 = tpu.memref_slice %arg4[%add3A_497] : memref<16384xf32, #tpu.memory_space<hbm>> -> memref<256xf32, #tpu.memory_space<hbm>>
    %dma_wait3A_513 = tpu.memref_slice %arg4[%add3A_497] : memref<16384xf32, #tpu.memory_space<hbm>> -> memref<256xf32, #tpu.memory_space<hbm>>
    %dma_wait3A_514 = arith.constant 256 : i32
    %dma_wait3A_515 = tpu.memref_slice %arg6[%dma_wait3A_514] : memref<512xf32, #tpu.memory_space<vmem>> -> memref<256xf32, #tpu.memory_space<vmem>>
    tpu.wait_dma2 semaphore(%arg9 : memref<!tpu.dma_semaphore, #tpu.memory_space<semaphore_mem>>) src(%dma_wait3A_515 : memref<256xf32, #tpu.memory_space<vmem>>) dst(%dma_wait3A_513 : memref<256xf32, #tpu.memory_space<hbm>>)
    return
  }
}

</mosaic_0001>

<sc_bundles>
// kernel: kernel.3.cloned.1.call-start
scs
__scs_entry_jumppad:
0x0: {  	(pc) =	sbr.rel $0x88, $3  }
0x1: {  	(tag) =	ssettag $0x0;
	lr =	simm.s32 $0x1  }
0x2: {  	[smem:$0x3F9F] =	sst lr;
	_ =	strace $0xD0000000  }
0x3: {  	_ = 	snop  }
0x4: {  	_ = 	snop  }
0x5: {  	_ = 	snop  }
0x6: {  	_ = 	snop  }
0x7: {  	_ = 	snop  }
__scs_overlays_trampoline_lowered:
0x8: {  	[smem:$0x3FAE] =	sst s0  }
0x9: {  	[smem:$0x3FAF] =	sst s1  }
0xa: {  	[smem:$0x3FB0] =	sst s2  }
0xb: {  	[smem:$0x3FB1] =	sst s3  }
0xc: {  	[smem:$0x3FB2] =	sst s4  }
0xd: {  	[smem:$0x3FB3] =	sst s5  }
0xe: {  	[smem:$0x3FB4] =	sst s6  }
0xf: {  	[smem:$0x3FB5] =	sst s7  }
0x10: {  	[smem:$0x3FB6] =	sst s8  }
0x11: {  	[smem:$0x3FB7] =	sst s9;
	s0 =	simm.s32 @!p0 $0x0  }
0x12: {  	s1 =	sld [smem:$0x3F9D];
	s0 =	simm.s32 @p0 $0x1  }
0x13: {  	[smem:$0x3FB8] =	sst s0;
	s0 =	simm.s32 @!p1 $0x0  }
0x14: {  	s2 =	sld [smem:$0x3F9C];
	s0 =	simm.s32 @p1 $0x1  }
0x15: {  	[smem:$0x3FB9] =	sst s0;
	s0 =	simm.s32 @!p2 $0x0  }
0x16: {  	s3 =	sld [smem:$0x3FDB];
	s0 =	simm.s32 @p2 $0x1  }
0x17: {  	s4 =	simm.s32 $0x1BF5;
	[smem:$0x3FBB] =	sst s0  }
0x18: {  	s0 =	sld [smem:$0x3F9E];
	_ =	swait.ge [sflag:s4], $0x0  }
0x19: {  	s7 =	sld [smem:$0x3F9F]  }
0x1a: {  	s8 =	sadd.s32 $0xFFFFE003, lr  }
0x1b: {  	s9 =	sadd.s32 $0xFFFFFEF7, lr;
	s5 =	simm.s32 $0xFFFFFFFF;
	p2 =	slt.u32 s8, $0xFFFFF086  }
0x1c: {  	p1 =	slt.u32 s9, $0xF7A;
	s5 =	simm.s32 @!p2 $0x0  }
0x1d: {  	s5 =	simm.s32 @p1 $0x1;
	p0 =	seq.s32 s7, s2  }
0x1e: {  	s7 =	smul.u32 @!p0 $0xF7A, s2;
	p2 =	seq.s32 @!p0 s5, $0x0  }
0x1f: {  	s9 =	smul.u32 $0xF7A, s1;
	s8 =	simm.s32 @!p0 $0x1BF5;
	p2 =	por !p2, p0  }
0x20: {  	[sflag:s8] =	ssyncset.s32 @!p0 $0xFFFFF086;
	s6 =	sadd.s32 @!p0 s3, s7;
	s7 =	simm.s32 @!p0 $0x108  }
0x21: {  	s3 =	sadd.s32 s3, s9;
	s6 =	sadd.s32 @!p0 $0x88, s6;
	s7 =	simm.s32 @p2 $0x1082  }
0x22: {  	[simem:s7], [sflag:s8] =	dma.local @!p0 [hbm:s6], $0xF7A  }
0x23: {  	s9 =	sor.u32 $0xD0000000, s2;
	s6 =	simm.s32 $0x108;
	_ =	swait.ge @!p0 [sflag:s8], $0x0  }
0x24: {  	s3 =	sadd.s32 $0x88, s3;
	s6 =	simm.s32 @!p1 $0x1082;
	[sflag:s4] =	ssyncset.s32 $0xFFFFF086  }
0x25: {  	[simem:s6], [sflag:s4] =	dma.local [hbm:s3], $0xF7A  }
0x26: {  	[smem:$0x3F9F] =	sst s1;
	(tag) =	ssettag s2;
	_ =	strace s9  }
0x27: {  	s1 =	sld [smem:$0x3FAF]  }
0x28: {  	s2 =	sld [smem:$0x3FB0]  }
0x29: {  	s4 =	sld [smem:$0x3FB2]  }
0x2a: {  	p0 =	seq.s32 s5, $0x0;
	s5 =	sld [smem:$0x3FB3]  }
0x2b: {  	s6 =	sld [smem:$0x3FB4]  }
0x2c: {  	s7 =	sld [smem:$0x3FB5]  }
0x2d: {  	s3 =	simm.s32 $0x108;
	s8 =	sld [smem:$0x3FB6]  }
0x2e: {  	s3 =	simm.s32 @!p0 $0x1082;
	s9 =	sld [smem:$0x3FB7]  }
0x2f: {  	lr =	sadd.s32 s0, s3;
	s0 =	sld [smem:$0x3FAE]  }
0x30: {  	s3 =	sld [smem:$0x3FB1]  }
0x31: {  	[smem:$0x3FBA] =	sst s10  }
0x32: {  	s10 =	sld [smem:$0x3FB8];
	_ =	sdelay $0x3  }
0x33: {  	p0 =	seq.s32 s10, $0x1;
	s10 =	sld [smem:$0x3FBA];
	_ =	sdelay $0x3  }
0x34: {  	[smem:$0x3FBA] =	sst s10  }
0x35: {  	s10 =	sld [smem:$0x3FB9];
	_ =	sdelay $0x3  }
0x36: {  	p1 =	seq.s32 s10, $0x1;
	s10 =	sld [smem:$0x3FBA];
	_ =	sdelay $0x3  }
0x37: {  	[smem:$0x3FBA] =	sst s10  }
0x38: {  	s10 =	sld [smem:$0x3FBB]  }
0x39: {  	_ = 	snop;
	(pc) =	sbr.ind lr, $3  }
0x3a: {  	_ = 	snop  }
0x3b: {  	_ = 	snop  }
0x3c: {  	p2 =	seq.s32 s10, $0x1;
	s10 =	sld [smem:$0x3FBA]  }
0x3d: {  	_ =	shalt  }
0x3e: {  	_ =	shalt  }
0x3f: {  	_ =	shalt  }
0x40: {  	_ =	shalt  }
0x41: {  	_ =	shalt  }
0x42: {  	_ =	shalt  }
0x43: {  	_ =	shalt  }
0x44: {  	_ =	shalt  }
0x45: {  	_ =	shalt  }
0x46: {  	_ =	shalt  }
0x47: {  	_ =	shalt  }
0x48: {  	_ =	shalt  }
0x49: {  	_ =	shalt  }
0x4a: {  	_ =	shalt  }
0x4b: {  	_ =	shalt  }
0x4c: {  	_ =	shalt  }
0x4d: {  	_ =	shalt  }
0x4e: {  	_ =	shalt  }
0x4f: {  	_ =	shalt  }
0x50: {  	_ =	shalt  }
0x51: {  	_ =	shalt  }
0x52: {  	_ =	shalt  }
0x53: {  	_ =	shalt  }
0x54: {  	_ =	shalt  }
0x55: {  	_ =	shalt  }
0x56: {  	_ =	shalt  }
0x57: {  	_ =	shalt  }
0x58: {  	_ =	shalt  }
0x59: {  	_ =	shalt  }
0x5a: {  	_ =	shalt  }
0x5b: {  	_ =	shalt  }
0x5c: {  	_ =	shalt  }
0x5d: {  	_ =	shalt  }
0x5e: {  	_ =	shalt  }
0x5f: {  	_ =	shalt  }
0x60: {  	_ =	shalt  }
0x61: {  	_ =	shalt  }
0x62: {  	_ =	shalt  }
0x63: {  	_ =	shalt  }
0x64: {  	_ =	shalt  }
0x65: {  	_ =	shalt  }
0x66: {  	_ =	shalt  }
0x67: {  	_ =	shalt  }
0x68: {  	_ =	shalt  }
0x69: {  	_ =	shalt  }
0x6a: {  	_ =	shalt  }
0x6b: {  	_ =	shalt  }
0x6c: {  	_ =	shalt  }
0x6d: {  	_ =	shalt  }
0x6e: {  	_ =	shalt  }
0x6f: {  	_ =	shalt  }
0x70: {  	_ =	shalt  }
0x71: {  	_ =	shalt  }
0x72: {  	_ =	shalt  }
0x73: {  	_ =	shalt  }
0x74: {  	_ =	shalt  }
0x75: {  	_ =	shalt  }
0x76: {  	_ =	shalt  }
0x77: {  	_ =	shalt  }
0x78: {  	_ =	shalt  }
0x79: {  	_ =	shalt  }
0x7a: {  	_ =	shalt  }
0x7b: {  	_ =	shalt  }
0x7c: {  	_ =	shalt  }
0x7d: {  	_ =	shalt  }
0x7e: {  	_ =	shalt  }
0x7f: {  	_ =	shalt  }
0x80: {  	_ =	shalt  }
0x81: {  	_ =	shalt  }
0x82: {  	_ =	shalt  }
0x83: {  	_ =	shalt  }
0x84: {  	_ =	shalt  }
0x85: {  	_ =	shalt  }
0x86: {  	_ =	shalt  }
0x87: {  	_ =	shalt  }
.Lfunc_end0:
.L_simem_size_0:
called_computation_lowered:
.L_overlay_start_0:
0x88: {  	s2 =	sld [smem:$0x3FD9]  }
0x89: {  	s3 =	sld [smem:$0x3FFE];
	_ =	sdelay $0x1  }
0x8a: {  	s1 =	srdreg.scid  }
0x8b: {  	s0 =	sand.u32 $0x1, s1  }
0x8c: {  	s18 =	sshll.u32 s0, $0xA;
	s2 =	sadd.s32 s3, s2  }
0x8d: {  	s2 =	sadd.s32 s2, s18  }
0x8e: {  	[smem:$0x3FC6] =	sst s2  }
0x8f: {  	_ = 	snop  }
0x90: {  	s2 =	sld [smem:$0x3FC9]  }
0x91: {  	s19 =	sld [smem:$0x3FC8]  }
0x92: {  	s4 =	sld [smem:$0x3FD0];
	(tm) =	ssettm $0x1  }
0x93: {  	s5 =	sld [smem:$0x3FFB];
	_ =	sdelay $0x3  }
0x94: {  	_ =	strace s5  }
0x95: {  	s5 =	sld [smem:$0x3FFC];
	_ =	sdelay $0x3  }
0x96: {  	_ =	strace s5  }
0x97: {  	s5 =	sld [smem:$0x3FFD];
	_ =	sdelay $0x3  }
0x98: {  	_ =	strace s5  }
0x99: {  	_ =	strace $0x8FFFFFFF  }
0x9a: {  	s20 =	sld [smem:$0x3FDB];
	_ =	sdelay $0x1  }
0x9b: {  	s6 =	simm.s32 $_scs_section_size  }
0x9c: {  	s7 =	simm.s32 $_size__tile_overlayer_lowered;
	s8 =	simm.s32 $_tile_overlayer_lowered  }
0x9d: {  	s23 =	simm.s32 $0x1BFF;
	s22 =	sshll.u32 s8, $0x1;
	s5 =	sadd.s32 s6, s20  }
0x9e: {  	s9 =	simm.s32 $0x0;
	s21 =	sshll.u32 s7, $0x1;
	s7 =	sadd.s32 s22, s5  }
0x9f: {  	[timem:s9], [sflag:s23] =	dma.local [hbm:s7], s21  }
0xa0: {  	_ =	swait.ge [sflag:s23], s21  }
0xa1: {  	s6 =	ssub.s32 $0x0, s21;
	[sflag:s23] =	ssyncset.done $0x0  }
0xa2: {  	[sflag:s23] =	ssyncadd.s32 s6;
	_ =	sdelay $0x1  }
0xa3: {  	s24 =	simm.s32 $0x1B8B  }
0xa4: {  	_ =	swait.ge [sflag:s24], $0x1  }
0xa5: {  	[sflag:s24] =	ssyncset.done $0x0  }
0xa6: {  	s25 =	simm.s32 $0x1B8E;
	[sflag:s24] =	ssyncadd.s32 $0xFFFFFFFF  }
0xa7: {  	s26 =	simm.s32 $execute0_lowered;
	[smem:$0x3FD2] =	sst s25  }
0xa8: {  	s6 =	sshll.u32 s26, $0x1;
	_ =	strace $0x80000046;
	[dreg:$0x1] =	wrdreg $0xFFFFFFFF  }
0xa9: {  	s28 =	simm.s32 $_size_execute0_lowered;
	s5 =	sadd.s32 s5, s6;
	[dreg:$0x0] =	wrdreg $0x0  }
0xaa: {  	s6 =	sshll.u32 s28, $0x1;
	[dreg:$0x2] =	wrdreg s5  }
0xab: {  	[dreg:$0x3] =	wrdreg s6  }
0xac: {  	[dreg:$0x4] =	wrdreg $0xC0  }
0xad: {  	_ =	task [dreg:s9], $0x5FFFF  }
0xae: {  	[dreg:$0x1] =	wrdreg $0xFFFFFFFF  }
0xaf: {  	[dreg:$0x0] =	wrdreg $0x60  }
0xb0: {  	[dreg:$0x2] =	wrdreg s19  }
0xb1: {  	[dreg:$0x3] =	wrdreg s2  }
0xb2: {  	[dreg:$0x4] =	wrdreg s4  }
0xb3: {  	[dreg:$0x5] =	wrdreg $0x9  }
0xb4: {  	_ =	task.clear_ibuf [dreg:s9], $0x6FFFF;
	_ =	strace $0x90000046  }
0xb5: {  	s29 =	simm.s32 $0x9;
	_ =	strace $0x80000048  }
0xb6: {  	_ =	swait.ge [sflag:s29], $0x1  }
0xb7: {  	[sflag:s29] =	ssyncadd.s32 $0xFFFFFFFF  }
0xb8: {  	_ =	strace $0x90000048  }
0xb9: {  	_ =	sfence  }
0xba: {  	s30 =	sld [smem:$0x0];
	_ =	sdelay $0x2  }
0xbb: {  	s31 =	sshll.u32 s1, $0xD;
	s1 =	sshrl.u32 s1, $0x2  }
0xbc: {  	s3 =	sand.u32 $0x4000, s31;
	s1 =	sadd.s32 s1, s30  }
0xbd: {  	s0 =	sor.u32 s3, s0;
	s1 =	sshll.u32 s1, $0x11  }
0xbe: {  	s0 =	sor.u32 s1, s0  }
0xbf: {  	s0 =	sadd.s32 $0x8F2B, s0  }
0xc0: {  	[sflag:s0] =	ssyncadd.remote.s32 $0x1  }
0xc1: {  	_ =	sfence.sel $0xFFFF  }
0xc2: {  	[dreg:$0x0] =	wrdreg $0xFFFFFFFF;
	(pc) =	sbr.abs _section_cstart, $3  }
0xc3: {  	[dreg:$0x1] =	wrdreg $0xFFFFFFFF  }
0xc4: {  	_ =	task.clear_ibuf [dreg:s9], $0x2FFFF;
	_ =	strace $0x9FFFFFFF  }
0xc5: {  	(tm) =	ssettm $0x7FFFFFFF  }
tec
execute0_lowered:
.L_overlay_start_1:
0x0: {  	(tag) =	ssettag $0x1  }
0x1: {  	s1 =	rddreg [dreg:$0x0]  }
0x2: {  	s5 =	rddreg [dreg:$0x1]  }
0x3: {  	s7 =	rddreg [dreg:$0x2]  }
0x4: {  	s0 =	rddreg [dreg:$0x3];
	s3 =	simm.s32 $0x0;
	s4 =	srdreg.scid  }
0x5: {  	s2 =	stileid.u32;
	s11 =	simm.s32 $0x200;
	s12 =	simm.s32 $0x2  }
0x6: {  	s13 =	simm.s32 $0x300;
	s14 =	simm.s32 $0x3;
	s15 =	simm.s32 $0x4  }
0x7: {  	s16 =	simm.s32 $0x5;
	[smem:$0x7FF] =	sst s3;
	s4 =	sand.u32 $0x1, s4  }
0x8: {  	s8 =	sshll.u32 s2, $0x7;
	s6 =	ssub.s32 $0x2, s4;
	s4 =	sshll.u32 s4, $0x6  }
0x9: {  	_ =	strace $0x80000047;
	s9 =	sshrl.u32 s6, $0x1;
	s8 =	sor.u32 s4, s8  }
0xa: {  	s9 =	ssub.s32 s6, s9;
	s4 =	sadd.s32 s5, s8;
	s10 =	sor.u32 $0x20, s8  }
0xb: {  	s6 =	sadd.s32 s7, s8;
	s5 =	sadd.s32 s5, s10;
	s7 =	sadd.s32 s7, s10  }
0xc: {  	s8 =	smax.u32 s9, $0x1;
	s9 =	simm.s32 $0x100;
	s10 =	simm.s32 $0x1  }
.LBB2_1:
0xd: {  	[tilespmem:s3], [sflag:$0x1] =	stream.linear.gather [hbm4b:s4+s3], $0x100, $0x38;
	[tilespmem:$0x400] =	vst v63  }
0xe: {  	_ = 	snop  }
0xf: {  	[tilespmem:s9], [sflag:$0x2] =	stream.linear.gather [hbm4b:s5+s3], $0x100, $0x38;
	[tilespmem:$0x400] =	vst v63  }
0x10: {  	_ =	swait.ge [sflag:s10], $0x100  }
0x11: {  	[sflag:s10] =	ssyncset.done $0x0  }
0x12: {  	[sflag:s10] =	ssyncadd.s32 $0xFFFFFF00  }
0x13: {  	[tilespmem:s11], [sflag:$0x3] =	stream.indirect.gather [hbm4b:s1+s9], $0x1, s3, s9, $0xb8;
	[tilespmem:$0x400] =	vst v63  }
0x14: {  	_ =	swait.ge [sflag:s12], $0x100  }
0x15: {  	[sflag:s12] =	ssyncset.done $0x0  }
0x16: {  	[sflag:s12] =	ssyncadd.s32 $0xFFFFFF00  }
0x17: {  	[tilespmem:s13], [sflag:$0x4] =	stream.indirect.gather [hbm4b:s1+s9], $0x1, s9, s9, $0xb8;
	[tilespmem:$0x400] =	vst v63  }
0x18: {  	_ =	swait.ge [sflag:s14], $0x100  }
0x19: {  	[sflag:s14] =	ssyncset.done $0x0  }
0x1a: {  	[sflag:s14] =	ssyncadd.s32 $0xFFFFFF00  }
0x1b: {  	v0 =	vld [tilespmem:$0x200]  }
0x1c: {  	v1 =	vld [tilespmem:$0x210]  }
0x1d: {  	v2 =	vld [tilespmem:$0x220]  }
0x1e: {  	v3 =	vld [tilespmem:$0x230]  }
0x1f: {  	v4 =	vld [tilespmem:$0x240]  }
0x20: {  	v5 =	vld [tilespmem:$0x250];
	v0 =	vmax.f32 v0, $1.000000010e-01  }
0x21: {  	v6 =	vld [tilespmem:$0x260];
	v1 =	vmax.f32 v1, $1.000000010e-01;
	v0 =	vmin.f32 v0, $6.999999880e-01  }
0x22: {  	v39 =	vld [tilespmem:$0x270];
	v38 =	vmax.f32 v2, $1.000000010e-01;
	v37 =	vmin.f32 v1, $6.999999880e-01;
	[tilespmem:$0x200] =	vst v0  }
0x23: {  	v42 =	vld [tilespmem:$0x280];
	v41 =	vmax.f32 v3, $1.000000010e-01;
	v40 =	vmin.f32 v38, $6.999999880e-01;
	[tilespmem:$0x210] =	vst v37  }
0x24: {  	v45 =	vld [tilespmem:$0x290];
	v44 =	vmax.f32 v4, $1.000000010e-01;
	v43 =	vmin.f32 v41, $6.999999880e-01;
	[tilespmem:$0x220] =	vst v40  }
0x25: {  	v48 =	vld [tilespmem:$0x2A0];
	v47 =	vmax.f32 v5, $1.000000010e-01;
	v46 =	vmin.f32 v44, $6.999999880e-01;
	[tilespmem:$0x230] =	vst v43  }
0x26: {  	v51 =	vld [tilespmem:$0x2B0];
	v50 =	vmax.f32 v6, $1.000000010e-01;
	v49 =	vmin.f32 v47, $6.999999880e-01;
	[tilespmem:$0x240] =	vst v46  }
0x27: {  	v54 =	vld [tilespmem:$0x2C0];
	v53 =	vmax.f32 v39, $1.000000010e-01;
	v52 =	vmin.f32 v50, $6.999999880e-01;
	[tilespmem:$0x250] =	vst v49  }
0x28: {  	v57 =	vld [tilespmem:$0x2D0];
	v56 =	vmax.f32 v42, $1.000000010e-01;
	v55 =	vmin.f32 v53, $6.999999880e-01;
	[tilespmem:$0x260] =	vst v52  }
0x29: {  	v60 =	vld [tilespmem:$0x2E0];
	v59 =	vmax.f32 v45, $1.000000010e-01;
	v58 =	vmin.f32 v56, $6.999999880e-01;
	[tilespmem:$0x270] =	vst v55  }
0x2a: {  	v63 =	vld [tilespmem:$0x2F0];
	v62 =	vmax.f32 v48, $1.000000010e-01;
	v61 =	vmin.f32 v59, $6.999999880e-01;
	[tilespmem:$0x280] =	vst v58  }
0x2b: {  	v9 =	vmax.f32 v51, $1.000000010e-01;
	v8 =	vmin.f32 v62, $6.999999880e-01;
	[tilespmem:$0x290] =	vst v61  }
0x2c: {  	v11 =	vmax.f32 v54, $1.000000010e-01;
	v10 =	vmin.f32 v9, $6.999999880e-01;
	[tilespmem:$0x2A0] =	vst v8  }
0x2d: {  	v13 =	vmax.f32 v57, $1.000000010e-01;
	v12 =	vmin.f32 v11, $6.999999880e-01;
	[tilespmem:$0x2B0] =	vst v10  }
0x2e: {  	v15 =	vmax.f32 v60, $1.000000010e-01;
	v14 =	vmin.f32 v13, $6.999999880e-01;
	[tilespmem:$0x2C0] =	vst v12  }
0x2f: {  	v17 =	vmax.f32 v63, $1.000000010e-01;
	v16 =	vmin.f32 v15, $6.999999880e-01;
	[tilespmem:$0x2D0] =	vst v14  }
0x30: {  	v18 =	vmin.f32 v17, $6.999999880e-01;
	[tilespmem:$0x2E0] =	vst v16  }
0x31: {  	[tilespmem:$0x2F0] =	vst v18  }
0x32: {  	[hbm4b:s6+s3] =	stream.linear.scatter [tilespmem:s11], [sflag:$0x5], $0x100, $0x38;
	[tilespmem:$0x400] =	vst v63  }
0x33: {  	_ =	swait.ge [sflag:s15], $0x100  }
0x34: {  	[sflag:s15] =	ssyncset.done $0x0  }
0x35: {  	[sflag:s15] =	ssyncadd.s32 $0xFFFFFF00  }
0x36: {  	v19 =	vld [tilespmem:$0x300]  }
0x37: {  	v20 =	vld [tilespmem:$0x310]  }
0x38: {  	v21 =	vld [tilespmem:$0x320]  }
0x39: {  	v22 =	vld [tilespmem:$0x330]  }
0x3a: {  	v23 =	vld [tilespmem:$0x340]  }
0x3b: {  	v24 =	vld [tilespmem:$0x350];
	v0 =	vmax.f32 v19, $1.000000010e-01  }
0x3c: {  	v25 =	vld [tilespmem:$0x360];
	v1 =	vmax.f32 v20, $1.000000010e-01;
	v0 =	vmin.f32 v0, $6.999999880e-01  }
0x3d: {  	v28 =	vld [tilespmem:$0x370];
	v27 =	vmax.f32 v21, $1.000000010e-01;
	v26 =	vmin.f32 v1, $6.999999880e-01;
	[tilespmem:$0x300] =	vst v0  }
0x3e: {  	v31 =	vld [tilespmem:$0x380];
	v30 =	vmax.f32 v22, $1.000000010e-01;
	v29 =	vmin.f32 v27, $6.999999880e-01;
	[tilespmem:$0x310] =	vst v26  }
0x3f: {  	v34 =	vld [tilespmem:$0x390];
	v33 =	vmax.f32 v23, $1.000000010e-01;
	v32 =	vmin.f32 v30, $6.999999880e-01;
	[tilespmem:$0x320] =	vst v29  }
0x40: {  	v37 =	vld [tilespmem:$0x3A0];
	v36 =	vmax.f32 v24, $1.000000010e-01;
	v35 =	vmin.f32 v33, $6.999999880e-01;
	[tilespmem:$0x330] =	vst v32  }
0x41: {  	v40 =	vld [tilespmem:$0x3B0];
	v39 =	vmax.f32 v25, $1.000000010e-01;
	v38 =	vmin.f32 v36, $6.999999880e-01;
	[tilespmem:$0x340] =	vst v35  }
0x42: {  	v43 =	vld [tilespmem:$0x3C0];
	v42 =	vmax.f32 v28, $1.000000010e-01;
	v41 =	vmin.f32 v39, $6.999999880e-01;
	[tilespmem:$0x350] =	vst v38  }
0x43: {  	v46 =	vld [tilespmem:$0x3D0];
	v45 =	vmax.f32 v31, $1.000000010e-01;
	v44 =	vmin.f32 v42, $6.999999880e-01;
	[tilespmem:$0x360] =	vst v41  }
0x44: {  	v49 =	vld [tilespmem:$0x3E0];
	v48 =	vmax.f32 v34, $1.000000010e-01;
	v47 =	vmin.f32 v45, $6.999999880e-01;
	[tilespmem:$0x370] =	vst v44  }
0x45: {  	v52 =	vld [tilespmem:$0x3F0];
	v51 =	vmax.f32 v37, $1.000000010e-01;
	v50 =	vmin.f32 v48, $6.999999880e-01;
	[tilespmem:$0x380] =	vst v47  }
0x46: {  	v54 =	vmax.f32 v40, $1.000000010e-01;
	v53 =	vmin.f32 v51, $6.999999880e-01;
	[tilespmem:$0x390] =	vst v50  }
0x47: {  	v56 =	vmax.f32 v43, $1.000000010e-01;
	v55 =	vmin.f32 v54, $6.999999880e-01;
	[tilespmem:$0x3A0] =	vst v53  }
0x48: {  	v58 =	vmax.f32 v46, $1.000000010e-01;
	v57 =	vmin.f32 v56, $6.999999880e-01;
	[tilespmem:$0x3B0] =	vst v55  }
0x49: {  	v60 =	vmax.f32 v49, $1.000000010e-01;
	v59 =	vmin.f32 v58, $6.999999880e-01;
	[tilespmem:$0x3C0] =	vst v57  }
0x4a: {  	v62 =	vmax.f32 v52, $1.000000010e-01;
	v61 =	vmin.f32 v60, $6.999999880e-01;
	[tilespmem:$0x3D0] =	vst v59  }
0x4b: {  	v63 =	vmin.f32 v62, $6.999999880e-01;
	[tilespmem:$0x3E0] =	vst v61  }
0x4c: {  	[tilespmem:$0x3F0] =	vst v63  }
0x4d: {  	[hbm4b:s7+s3] =	stream.linear.scatter [tilespmem:s13], [sflag:$0x5], $0x100, $0x38;
	[tilespmem:$0x400] =	vst v63  }
0x4e: {  	p0 =	sne.s32 s8, $0x1;
	_ =	swait.ge [sflag:s16], $0x100  }
.Ltmp0:
0x4f: {  	[sflag:s16] =	ssyncset.done $0x0;
	(pc) =	sbr.rel @p0 .LBB2_1-.Ltmp0, $4  }
0x50: {  	[sflag:s16] =	ssyncadd.s32 $0xFFFFFF00  }
0x51: {  	_ =	swait.ge [sflag:s16], $0x100  }
0x52: {  	[sflag:s16] =	ssyncset.done $0x0  }
0x53: {  	s8 =	sadd.s32 $0xFFFFFFFF, s8;
	[sflag:s16] =	ssyncadd.s32 $0xFFFFFF00  }
0x54: {  	_ =	sfence.sel $0x180000  }
0x55: {  	[bflag:$0x0] =	sbarrier.arrive $0xFFFF  }
0x56: {  	p0 =	sne.s32 s2, $0x0;
	_ =	strace $0x90000047  }
0x57: {  	s0 =	sadd.s32 @!p0 $0x100000, s0;
	[bflag:$0x2] =	sbarrier.arrive $0xFFFF  }
0x58: {  	[sflag:s0] =	ssyncadd.tile.s32 @!p0 $0x1;
	_ =	shalt  }
.Lfunc_end2:
_tile_overlayer_lowered:
.L_overlay_start_2:
0x59: {  	(tag) =	ssettag $0x2  }
0x5a: {  	s0 =	rddreg [dreg:$0x0];
	s2 =	stileid.u32  }
0x5b: {  	s1 =	rddreg [dreg:$0x1];
	p0 =	sne.s32 s2, $0x0  }
0x5c: {  	s3 =	rddreg [dreg:$0x2];
	[bflag:$0x3] =	sbarrier.arrive $0xFFFF;
	s2 =	simm.s32 @!p0 $0x1C06  }
0x5d: {  	[timem:s3], [sflag:s2] =	dma.local @!p0 [hbm:s0], s1  }
0x5e: {  	s0 =	simm.s32 @!p0 $0x6  }
0x5f: {  	_ =	swait.ge @!p0 [sflag:s0], s1  }
0x60: {  	s1 =	ssub.s32 @!p0 $0x0, s1;
	[sflag:s0] =	ssyncset.done @!p0 $0x0  }
0x61: {  	[sflag:s0] =	ssyncadd.s32 @!p0 s1  }
0x62: {  	[bflag:$0x3] =	sbarrier.arrive $0xFFFF  }
0x63: {  	_ =	shalt  }

</sc_bundles>
